<compile_context>
chip_gen: v7x
topology: tpu7x:2x2x1
jax: 0.10.2.dev20260603
libtpu: 0.0.44.dev20260713+nightly
codegen_flags: <defaults>
</compile_context>

<pallas_src>
import functools

import jax
import jax.numpy as jnp
from jax import lax
from jax.experimental import pallas as pl
from jax.experimental.pallas import tpu as pltpu
from jax.experimental.pallas import tpu_sc as plsc

R = 1000
D = 128
B = 16384
NC = 2
NS = 16
NW = NC * NS
B_PER_W = B // NW
CHUNK = 64
NCHUNK = B_PER_W // CHUNK
NSTAGE = 8
ROWS_PER_STAGE = 128
LAST_STAGE_ROWS = R - (NSTAGE - 1) * ROWS_PER_STAGE


def _make_gather():
  mesh = plsc.VectorSubcoreMesh(core_axis_name="c", subcore_axis_name="s")

  @functools.partial(
      pl.kernel,
      mesh=mesh,
      out_type=jax.ShapeDtypeStruct((B, D), jnp.float32),
      scratch_types=[
          pltpu.VMEM((B_PER_W,), jnp.int32),
          pltpu.VMEM((B_PER_W, D), jnp.float32),
          pltpu.VMEM_SHARED((R, D), jnp.float32),
          pltpu.SemaphoreType.DMA((NCHUNK,)),
          pltpu.SemaphoreType.DMA,
          pltpu.SemaphoreType.DMA,
      ],
  )
  def gather_kernel(idx_hbm, table_hbm, out_hbm, idx_v, rows_v, tab_sh,
                    gsems, wsem, ssem):
    sid = lax.axis_index("s")
    wid = sid * NC + lax.axis_index("c")
    base = wid * B_PER_W

    @pl.when(sid < NSTAGE - 1)
    def _stage():
      r0 = sid * ROWS_PER_STAGE
      stage = pltpu.async_copy(table_hbm.at[pl.ds(r0, ROWS_PER_STAGE)],
                               tab_sh.at[pl.ds(r0, ROWS_PER_STAGE)], ssem)
      pltpu.sync_copy(idx_hbm.at[pl.ds(base, B_PER_W)], idx_v)
      stage.wait()

    @pl.when(sid == NSTAGE - 1)
    def _stage_last():
      r0 = (NSTAGE - 1) * ROWS_PER_STAGE
      stage = pltpu.async_copy(table_hbm.at[pl.ds(r0, LAST_STAGE_ROWS)],
                               tab_sh.at[pl.ds(r0, LAST_STAGE_ROWS)], ssem)
      pltpu.sync_copy(idx_hbm.at[pl.ds(base, B_PER_W)], idx_v)
      stage.wait()

    @pl.when(sid >= NSTAGE)
    def _no_stage():
      pltpu.sync_copy(idx_hbm.at[pl.ds(base, B_PER_W)], idx_v)

    plsc.subcore_barrier()

    def fire_gather(j):
      return pltpu.async_copy(
          tab_sh.at[idx_v.at[pl.ds(j * CHUNK, CHUNK)]],
          rows_v.at[pl.ds(j * CHUNK, CHUNK)],
          gsems.at[j],
      )

    gathers = [fire_gather(j) for j in range(NCHUNK)]
    writes = []
    for j in range(NCHUNK):
      gathers[j].wait()
      writes.append(
          pltpu.async_copy(
              rows_v.at[pl.ds(j * CHUNK, CHUNK)],
              out_hbm.at[pl.ds(base + j * CHUNK, CHUNK)],
              wsem,
          )
      )
    for c in writes:
      c.wait()

  return gather_kernel


_gather = _make_gather()


@jax.jit
def kernel(table, ks):
  return _gather(ks.astype(jnp.int32), table)

# --- scband reference (transcript-rebuilt; emitter-appended) ---
"""Pipeline reference for scband-feature-parameter-59760174956781 (READ-ONLY COPY).

The authoritative reference and input builder live on the scoring server;
editing this copy changes nothing except your own understanding.
"""

import jax, jax.numpy as jnp
import numpy as np

NUM_EMBEDDINGS = 1000
EMBED_DIM = 128
BATCH = 16384


def setup_inputs(seed: int = 0) -> dict:
    key = jax.random.key(seed)
    k1, k2 = jax.random.split(key)
    # The torch module registers one Parameter per embedding row (default torch.zeros);
    # we materialize the stacked parameter table with random values for a meaningful reference.
    table = jax.random.normal(k1, (NUM_EMBEDDINGS, EMBED_DIM), dtype=jnp.float32)
    ks = jax.random.randint(k2, (BATCH,), 0, NUM_EMBEDDINGS, dtype=jnp.int64)
    return {"table": table, "ks": ks}


def reference(table, ks):
    # torch: torch.stack([self._params[k] for k in ks], 0)
    # == row gather from the stacked parameter table.
    return jnp.take(table, ks, axis=0)

if __name__ == "__main__":
    import jax
    _d = setup_inputs()
    print(jax.jit(kernel)(*tuple(_d.values())))

</pallas_src>

<mosaic_0001>
#map = affine_map<(d0, d1) -> (0)>
#map1 = affine_map<(d0, d1) -> (0, 0)>
module attributes {stable_mosaic.version = 14 : i64} {
  func.func @gather_kernel(%arg0: i32, %arg1: i32, %arg2: memref<16384xi32, #tpu.memory_space<hbm>>, %arg3: memref<1000x128xf32, #tpu.memory_space<hbm>>, %arg4: memref<16384x128xf32, #tpu.memory_space<hbm>>, %arg5: memref<512xi32, #tpu.memory_space<vmem>>, %arg6: memref<512x128xf32, #tpu.memory_space<vmem>>, %arg7: memref<1000x128xf32, #tpu.memory_space<vmem_shared>>, %arg8: memref<8x!tpu.dma_semaphore, #tpu.memory_space<semaphore_mem>>, %arg9: memref<!tpu.dma_semaphore, #tpu.memory_space<semaphore_mem>>, %arg10: memref<!tpu.dma_semaphore, #tpu.memory_space<semaphore_mem>>) attributes {dimension_semantics = [#tpu.dimension_semantics<core_parallel>, #tpu.dimension_semantics<subcore_parallel>], iteration_bounds = array<i64: 2, 16>, scalar_prefetch = 0 : i64, scratch_operands = 6 : i64, tpu.core_type = #tpu.core_type<sc_vector_subcore>, window_params = [{transform_indices = #map}, {transform_indices = #map1}, {transform_indices = #map1}]} {
    %mul3A = arith.constant 2 : i32
    %mul3A_0 = arith.muli %arg1, %mul3A : i32
    %add3A = arith.addi %mul3A_0, %arg0 : i32
    %mul3A_1 = arith.constant 512 : i32
    %mul3A_2 = arith.muli %add3A, %mul3A_1 : i32
    %lt3A = arith.constant 7 : i32
    %lt3A_3 = arith.cmpi slt, %arg1, %lt3A : i32
    %convert_element_type3A = arith.extui %lt3A_3 : i1 to i32
    %cond3A = arith.constant 0 : i32
    %cond3A_4 = arith.cmpi ne, %convert_element_type3A, %cond3A : i32
    scf.if %cond3A_4 {
      %mul3A_363 = arith.constant 128 : i32
      %mul3A_364 = arith.muli %arg1, %mul3A_363 : i32
      %dma_start3A_365 = arith.constant 0 : i32
      %dma_start3A_366 = tpu.memref_slice %arg7[%mul3A_364, %dma_start3A_365] : memref<1000x128xf32, #tpu.memory_space<vmem_shared>> -> memref<128x128xf32, #tpu.memory_space<vmem_shared>>
      %dma_start3A_367 = arith.constant 0 : i32
      %dma_start3A_368 = tpu.memref_slice %arg3[%mul3A_364, %dma_start3A_367] : memref<1000x128xf32, #tpu.memory_space<hbm>> -> memref<128x128xf32, #tpu.memory_space<hbm>>
      tpu.enqueue_dma source(%dma_start3A_368 : memref<128x128xf32, #tpu.memory_space<hbm>>) target(%dma_start3A_366 : memref<128x128xf32, #tpu.memory_space<vmem_shared>>) target_semaphore(%arg10 : memref<!tpu.dma_semaphore, #tpu.memory_space<semaphore_mem>>)
      "tpu.region"() ({
        %run_scoped3A = tpu.sem_alloc : memref<!tpu.dma_semaphore, #tpu.memory_space<semaphore_mem>>
        %dma_start3A_373 = tpu.memref_slice %arg2[%mul3A_2] : memref<16384xi32, #tpu.memory_space<hbm>> -> memref<512xi32, #tpu.memory_space<hbm>>
        %dma_start3A_374 = tpu.memref_slice %arg2[%mul3A_2] : memref<16384xi32, #tpu.memory_space<hbm>> -> memref<512xi32, #tpu.memory_space<hbm>>
        tpu.enqueue_dma source(%dma_start3A_374 : memref<512xi32, #tpu.memory_space<hbm>>) target(%arg5 : memref<512xi32, #tpu.memory_space<vmem>>) target_semaphore(%run_scoped3A : memref<!tpu.dma_semaphore, #tpu.memory_space<semaphore_mem>>)
        %dma_wait3A_375 = tpu.memref_slice %arg2[%mul3A_2] : memref<16384xi32, #tpu.memory_space<hbm>> -> memref<512xi32, #tpu.memory_space<hbm>>
        %dma_wait3A_376 = tpu.memref_slice %arg2[%mul3A_2] : memref<16384xi32, #tpu.memory_space<hbm>> -> memref<512xi32, #tpu.memory_space<hbm>>
        tpu.wait_dma2 semaphore(%run_scoped3A : memref<!tpu.dma_semaphore, #tpu.memory_space<semaphore_mem>>) src(%dma_wait3A_376 : memref<512xi32, #tpu.memory_space<hbm>>) dst(%arg5 : memref<512xi32, #tpu.memory_space<vmem>>)
        tpu.yield
      }) : () -> ()
      %dma_wait3A_369 = arith.constant 0 : i32
      %dma_wait3A_370 = tpu.memref_slice %arg7[%mul3A_364, %dma_wait3A_369] : memref<1000x128xf32, #tpu.memory_space<vmem_shared>> -> memref<128x128xf32, #tpu.memory_space<vmem_shared>>
      %dma_wait3A_371 = arith.constant 0 : i32
      %dma_wait3A_372 = tpu.memref_slice %arg3[%mul3A_364, %dma_wait3A_371] : memref<1000x128xf32, #tpu.memory_space<hbm>> -> memref<128x128xf32, #tpu.memory_space<hbm>>
      tpu.wait_dma2 semaphore(%arg10 : memref<!tpu.dma_semaphore, #tpu.memory_space<semaphore_mem>>) src(%dma_wait3A_372 : memref<128x128xf32, #tpu.memory_space<hbm>>) dst(%dma_wait3A_370 : memref<128x128xf32, #tpu.memory_space<vmem_shared>>)
    } else {
    }
    %eq3A = arith.constant 7 : i32
    %eq3A_5 = arith.cmpi eq, %arg1, %eq3A : i32
    %convert_element_type3A_6 = arith.extui %eq3A_5 : i1 to i32
    %cond3A_7 = arith.constant 0 : i32
    %cond3A_8 = arith.cmpi ne, %convert_element_type3A_6, %cond3A_7 : i32
    scf.if %cond3A_8 {
      %dma_start3A_363 = arith.constant 896 : i32
      %dma_start3A_364 = arith.constant 0 : i32
      %dma_start3A_365 = tpu.memref_slice %arg7[%dma_start3A_363, %dma_start3A_364] : memref<1000x128xf32, #tpu.memory_space<vmem_shared>> -> memref<104x128xf32, #tpu.memory_space<vmem_shared>>
      %dma_start3A_366 = arith.constant 896 : i32
      %dma_start3A_367 = arith.constant 0 : i32
      %dma_start3A_368 = tpu.memref_slice %arg3[%dma_start3A_366, %dma_start3A_367] : memref<1000x128xf32, #tpu.memory_space<hbm>> -> memref<104x128xf32, #tpu.memory_space<hbm>>
      tpu.enqueue_dma source(%dma_start3A_368 : memref<104x128xf32, #tpu.memory_space<hbm>>) target(%dma_start3A_365 : memref<104x128xf32, #tpu.memory_space<vmem_shared>>) target_semaphore(%arg10 : memref<!tpu.dma_semaphore, #tpu.memory_space<semaphore_mem>>)
      "tpu.region"() ({
        %run_scoped3A = tpu.sem_alloc : memref<!tpu.dma_semaphore, #tpu.memory_space<semaphore_mem>>
        %dma_start3A_375 = tpu.memref_slice %arg2[%mul3A_2] : memref<16384xi32, #tpu.memory_space<hbm>> -> memref<512xi32, #tpu.memory_space<hbm>>
        %dma_start3A_376 = tpu.memref_slice %arg2[%mul3A_2] : memref<16384xi32, #tpu.memory_space<hbm>> -> memref<512xi32, #tpu.memory_space<hbm>>
        tpu.enqueue_dma source(%dma_start3A_376 : memref<512xi32, #tpu.memory_space<hbm>>) target(%arg5 : memref<512xi32, #tpu.memory_space<vmem>>) target_semaphore(%run_scoped3A : memref<!tpu.dma_semaphore, #tpu.memory_space<semaphore_mem>>)
        %dma_wait3A_377 = tpu.memref_slice %arg2[%mul3A_2] : memref<16384xi32, #tpu.memory_space<hbm>> -> memref<512xi32, #tpu.memory_space<hbm>>
        %dma_wait3A_378 = tpu.memref_slice %arg2[%mul3A_2] : memref<16384xi32, #tpu.memory_space<hbm>> -> memref<512xi32, #tpu.memory_space<hbm>>
        tpu.wait_dma2 semaphore(%run_scoped3A : memref<!tpu.dma_semaphore, #tpu.memory_space<semaphore_mem>>) src(%dma_wait3A_378 : memref<512xi32, #tpu.memory_space<hbm>>) dst(%arg5 : memref<512xi32, #tpu.memory_space<vmem>>)
        tpu.yield
      }) : () -> ()
      %dma_wait3A_369 = arith.constant 896 : i32
      %dma_wait3A_370 = arith.constant 0 : i32
      %dma_wait3A_371 = tpu.memref_slice %arg7[%dma_wait3A_369, %dma_wait3A_370] : memref<1000x128xf32, #tpu.memory_space<vmem_shared>> -> memref<104x128xf32, #tpu.memory_space<vmem_shared>>
      %dma_wait3A_372 = arith.constant 896 : i32
      %dma_wait3A_373 = arith.constant 0 : i32
      %dma_wait3A_374 = tpu.memref_slice %arg3[%dma_wait3A_372, %dma_wait3A_373] : memref<1000x128xf32, #tpu.memory_space<hbm>> -> memref<104x128xf32, #tpu.memory_space<hbm>>
      tpu.wait_dma2 semaphore(%arg10 : memref<!tpu.dma_semaphore, #tpu.memory_space<semaphore_mem>>) src(%dma_wait3A_374 : memref<104x128xf32, #tpu.memory_space<hbm>>) dst(%dma_wait3A_371 : memref<104x128xf32, #tpu.memory_space<vmem_shared>>)
    } else {
    }
    %ge3A = arith.constant 8 : i32
    %ge3A_9 = arith.cmpi sge, %arg1, %ge3A : i32
    %convert_element_type3A_10 = arith.extui %ge3A_9 : i1 to i32
    %cond3A_11 = arith.constant 0 : i32
    %cond3A_12 = arith.cmpi ne, %convert_element_type3A_10, %cond3A_11 : i32
    scf.if %cond3A_12 {
      "tpu.region"() ({
        %run_scoped3A = tpu.sem_alloc : memref<!tpu.dma_semaphore, #tpu.memory_space<semaphore_mem>>
        %dma_start3A_363 = tpu.memref_slice %arg2[%mul3A_2] : memref<16384xi32, #tpu.memory_space<hbm>> -> memref<512xi32, #tpu.memory_space<hbm>>
        %dma_start3A_364 = tpu.memref_slice %arg2[%mul3A_2] : memref<16384xi32, #tpu.memory_space<hbm>> -> memref<512xi32, #tpu.memory_space<hbm>>
        tpu.enqueue_dma source(%dma_start3A_364 : memref<512xi32, #tpu.memory_space<hbm>>) target(%arg5 : memref<512xi32, #tpu.memory_space<vmem>>) target_semaphore(%run_scoped3A : memref<!tpu.dma_semaphore, #tpu.memory_space<semaphore_mem>>)
        %dma_wait3A_365 = tpu.memref_slice %arg2[%mul3A_2] : memref<16384xi32, #tpu.memory_space<hbm>> -> memref<512xi32, #tpu.memory_space<hbm>>
        %dma_wait3A_366 = tpu.memref_slice %arg2[%mul3A_2] : memref<16384xi32, #tpu.memory_space<hbm>> -> memref<512xi32, #tpu.memory_space<hbm>>
        tpu.wait_dma2 semaphore(%run_scoped3A : memref<!tpu.dma_semaphore, #tpu.memory_space<semaphore_mem>>) src(%dma_wait3A_366 : memref<512xi32, #tpu.memory_space<hbm>>) dst(%arg5 : memref<512xi32, #tpu.memory_space<vmem>>)
        tpu.yield
      }) : () -> ()
    } else {
    }
    %barrier3A = arith.constant 0 : index
    tpu.barrier barrier_id(%barrier3A)
    %dma_start3A = arith.constant 0 : i32
    %dma_start3A_13 = arith.constant 0 : i32
    %dma_start3A_14 = arith.constant 0 : i32
    %dma_start3A_15 = tpu.memref_slice %arg6[%dma_start3A_13, %dma_start3A_14] : memref<512x128xf32, #tpu.memory_space<vmem>> -> memref<64x128xf32, #tpu.memory_space<vmem>>
    %dma_start3A_16 = arith.constant 0 : i32
    %dma_start3A_17 = tpu.memref_slice %arg5[%dma_start3A_16] : memref<512xi32, #tpu.memory_space<vmem>> -> memref<64xi32, #tpu.memory_space<vmem>>
    %dma_start3A_18 = arith.constant 0 : i32
    %dma_start3A_19 = arith.constant 0 : i32
    %dma_start3A_20 = tpu.memref_slice %arg7[%dma_start3A_18, %dma_start3A_19] : memref<1000x128xf32, #tpu.memory_space<vmem_shared>> -> memref<1000x128xf32, #tpu.memory_space<vmem_shared>>
    %dma_start3A_21 = tpu.memref_slice %arg8[%dma_start3A] : memref<8x!tpu.dma_semaphore, #tpu.memory_space<semaphore_mem>> -> memref<1x!tpu.dma_semaphore, #tpu.memory_space<semaphore_mem>>
    %dma_start3A_22 = tpu.memref_squeeze %dma_start3A_21 : memref<1x!tpu.dma_semaphore, #tpu.memory_space<semaphore_mem>> -> memref<!tpu.dma_semaphore, #tpu.memory_space<semaphore_mem>>
    tpu.enqueue_indirect_dma source(%dma_start3A_20 : memref<1000x128xf32, #tpu.memory_space<vmem_shared>>) target(%dma_start3A_15 : memref<64x128xf32, #tpu.memory_space<vmem>>) offsets(%dma_start3A_17 : memref<64xi32, #tpu.memory_space<vmem>>) semaphore(%dma_start3A_22 : memref<!tpu.dma_semaphore, #tpu.memory_space<semaphore_mem>>)
    %dma_start3A_23 = arith.constant 1 : i32
    %dma_start3A_24 = arith.constant 64 : i32
    %dma_start3A_25 = arith.constant 0 : i32
    %dma_start3A_26 = tpu.memref_slice %arg6[%dma_start3A_24, %dma_start3A_25] : memref<512x128xf32, #tpu.memory_space<vmem>> -> memref<64x128xf32, #tpu.memory_space<vmem>>
    %dma_start3A_27 = arith.constant 64 : i32
    %dma_start3A_28 = tpu.memref_slice %arg5[%dma_start3A_27] : memref<512xi32, #tpu.memory_space<vmem>> -> memref<64xi32, #tpu.memory_space<vmem>>
    %dma_start3A_29 = arith.constant 0 : i32
    %dma_start3A_30 = arith.constant 0 : i32
    %dma_start3A_31 = tpu.memref_slice %arg7[%dma_start3A_29, %dma_start3A_30] : memref<1000x128xf32, #tpu.memory_space<vmem_shared>> -> memref<1000x128xf32, #tpu.memory_space<vmem_shared>>
    %dma_start3A_32 = tpu.memref_slice %arg8[%dma_start3A_23] : memref<8x!tpu.dma_semaphore, #tpu.memory_space<semaphore_mem>> -> memref<1x!tpu.dma_semaphore, #tpu.memory_space<semaphore_mem>>
    %dma_start3A_33 = tpu.memref_squeeze %dma_start3A_32 : memref<1x!tpu.dma_semaphore, #tpu.memory_space<semaphore_mem>> -> memref<!tpu.dma_semaphore, #tpu.memory_space<semaphore_mem>>
    tpu.enqueue_indirect_dma source(%dma_start3A_31 : memref<1000x128xf32, #tpu.memory_space<vmem_shared>>) target(%dma_start3A_26 : memref<64x128xf32, #tpu.memory_space<vmem>>) offsets(%dma_start3A_28 : memref<64xi32, #tpu.memory_space<vmem>>) semaphore(%dma_start3A_33 : memref<!tpu.dma_semaphore, #tpu.memory_space<semaphore_mem>>)
    %dma_start3A_34 = arith.constant 2 : i32
    %dma_start3A_35 = arith.constant 128 : i32
    %dma_start3A_36 = arith.constant 0 : i32
    %dma_start3A_37 = tpu.memref_slice %arg6[%dma_start3A_35, %dma_start3A_36] : memref<512x128xf32, #tpu.memory_space<vmem>> -> memref<64x128xf32, #tpu.memory_space<vmem>>
    %dma_start3A_38 = arith.constant 128 : i32
    %dma_start3A_39 = tpu.memref_slice %arg5[%dma_start3A_38] : memref<512xi32, #tpu.memory_space<vmem>> -> memref<64xi32, #tpu.memory_space<vmem>>
    %dma_start3A_40 = arith.constant 0 : i32
    %dma_start3A_41 = arith.constant 0 : i32
    %dma_start3A_42 = tpu.memref_slice %arg7[%dma_start3A_40, %dma_start3A_41] : memref<1000x128xf32, #tpu.memory_space<vmem_shared>> -> memref<1000x128xf32, #tpu.memory_space<vmem_shared>>
    %dma_start3A_43 = tpu.memref_slice %arg8[%dma_start3A_34] : memref<8x!tpu.dma_semaphore, #tpu.memory_space<semaphore_mem>> -> memref<1x!tpu.dma_semaphore, #tpu.memory_space<semaphore_mem>>
    %dma_start3A_44 = tpu.memref_squeeze %dma_start3A_43 : memref<1x!tpu.dma_semaphore, #tpu.memory_space<semaphore_mem>> -> memref<!tpu.dma_semaphore, #tpu.memory_space<semaphore_mem>>
    tpu.enqueue_indirect_dma source(%dma_start3A_42 : memref<1000x128xf32, #tpu.memory_space<vmem_shared>>) target(%dma_start3A_37 : memref<64x128xf32, #tpu.memory_space<vmem>>) offsets(%dma_start3A_39 : memref<64xi32, #tpu.memory_space<vmem>>) semaphore(%dma_start3A_44 : memref<!tpu.dma_semaphore, #tpu.memory_space<semaphore_mem>>)
    %dma_start3A_45 = arith.constant 3 : i32
    %dma_start3A_46 = arith.constant 192 : i32
    %dma_start3A_47 = arith.constant 0 : i32
    %dma_start3A_48 = tpu.memref_slice %arg6[%dma_start3A_46, %dma_start3A_47] : memref<512x128xf32, #tpu.memory_space<vmem>> -> memref<64x128xf32, #tpu.memory_space<vmem>>
    %dma_start3A_49 = arith.constant 192 : i32
    %dma_start3A_50 = tpu.memref_slice %arg5[%dma_start3A_49] : memref<512xi32, #tpu.memory_space<vmem>> -> memref<64xi32, #tpu.memory_space<vmem>>
    %dma_start3A_51 = arith.constant 0 : i32
    %dma_start3A_52 = arith.constant 0 : i32
    %dma_start3A_53 = tpu.memref_slice %arg7[%dma_start3A_51, %dma_start3A_52] : memref<1000x128xf32, #tpu.memory_space<vmem_shared>> -> memref<1000x128xf32, #tpu.memory_space<vmem_shared>>
    %dma_start3A_54 = tpu.memref_slice %arg8[%dma_start3A_45] : memref<8x!tpu.dma_semaphore, #tpu.memory_space<semaphore_mem>> -> memref<1x!tpu.dma_semaphore, #tpu.memory_space<semaphore_mem>>
    %dma_start3A_55 = tpu.memref_squeeze %dma_start3A_54 : memref<1x!tpu.dma_semaphore, #tpu.memory_space<semaphore_mem>> -> memref<!tpu.dma_semaphore, #tpu.memory_space<semaphore_mem>>
    tpu.enqueue_indirect_dma source(%dma_start3A_53 : memref<1000x128xf32, #tpu.memory_space<vmem_shared>>) target(%dma_start3A_48 : memref<64x128xf32, #tpu.memory_space<vmem>>) offsets(%dma_start3A_50 : memref<64xi32, #tpu.memory_space<vmem>>) semaphore(%dma_start3A_55 : memref<!tpu.dma_semaphore, #tpu.memory_space<semaphore_mem>>)
    %dma_start3A_56 = arith.constant 4 : i32
    %dma_start3A_57 = arith.constant 256 : i32
    %dma_start3A_58 = arith.constant 0 : i32
    %dma_start3A_59 = tpu.memref_slice %arg6[%dma_start3A_57, %dma_start3A_58] : memref<512x128xf32, #tpu.memory_space<vmem>> -> memref<64x128xf32, #tpu.memory_space<vmem>>
    %dma_start3A_60 = arith.constant 256 : i32
    %dma_start3A_61 = tpu.memref_slice %arg5[%dma_start3A_60] : memref<512xi32, #tpu.memory_space<vmem>> -> memref<64xi32, #tpu.memory_space<vmem>>
    %dma_start3A_62 = arith.constant 0 : i32
    %dma_start3A_63 = arith.constant 0 : i32
    %dma_start3A_64 = tpu.memref_slice %arg7[%dma_start3A_62, %dma_start3A_63] : memref<1000x128xf32, #tpu.memory_space<vmem_shared>> -> memref<1000x128xf32, #tpu.memory_space<vmem_shared>>
    %dma_start3A_65 = tpu.memref_slice %arg8[%dma_start3A_56] : memref<8x!tpu.dma_semaphore, #tpu.memory_space<semaphore_mem>> -> memref<1x!tpu.dma_semaphore, #tpu.memory_space<semaphore_mem>>
    %dma_start3A_66 = tpu.memref_squeeze %dma_start3A_65 : memref<1x!tpu.dma_semaphore, #tpu.memory_space<semaphore_mem>> -> memref<!tpu.dma_semaphore, #tpu.memory_space<semaphore_mem>>
    tpu.enqueue_indirect_dma source(%dma_start3A_64 : memref<1000x128xf32, #tpu.memory_space<vmem_shared>>) target(%dma_start3A_59 : memref<64x128xf32, #tpu.memory_space<vmem>>) offsets(%dma_start3A_61 : memref<64xi32, #tpu.memory_space<vmem>>) semaphore(%dma_start3A_66 : memref<!tpu.dma_semaphore, #tpu.memory_space<semaphore_mem>>)
    %dma_start3A_67 = arith.constant 5 : i32
    %dma_start3A_68 = arith.constant 320 : i32
    %dma_start3A_69 = arith.constant 0 : i32
    %dma_start3A_70 = tpu.memref_slice %arg6[%dma_start3A_68, %dma_start3A_69] : memref<512x128xf32, #tpu.memory_space<vmem>> -> memref<64x128xf32, #tpu.memory_space<vmem>>
    %dma_start3A_71 = arith.constant 320 : i32
    %dma_start3A_72 = tpu.memref_slice %arg5[%dma_start3A_71] : memref<512xi32, #tpu.memory_space<vmem>> -> memref<64xi32, #tpu.memory_space<vmem>>
    %dma_start3A_73 = arith.constant 0 : i32
    %dma_start3A_74 = arith.constant 0 : i32
    %dma_start3A_75 = tpu.memref_slice %arg7[%dma_start3A_73, %dma_start3A_74] : memref<1000x128xf32, #tpu.memory_space<vmem_shared>> -> memref<1000x128xf32, #tpu.memory_space<vmem_shared>>
    %dma_start3A_76 = tpu.memref_slice %arg8[%dma_start3A_67] : memref<8x!tpu.dma_semaphore, #tpu.memory_space<semaphore_mem>> -> memref<1x!tpu.dma_semaphore, #tpu.memory_space<semaphore_mem>>
    %dma_start3A_77 = tpu.memref_squeeze %dma_start3A_76 : memref<1x!tpu.dma_semaphore, #tpu.memory_space<semaphore_mem>> -> memref<!tpu.dma_semaphore, #tpu.memory_space<semaphore_mem>>
    tpu.enqueue_indirect_dma source(%dma_start3A_75 : memref<1000x128xf32, #tpu.memory_space<vmem_shared>>) target(%dma_start3A_70 : memref<64x128xf32, #tpu.memory_space<vmem>>) offsets(%dma_start3A_72 : memref<64xi32, #tpu.memory_space<vmem>>) semaphore(%dma_start3A_77 : memref<!tpu.dma_semaphore, #tpu.memory_space<semaphore_mem>>)
    %dma_start3A_78 = arith.constant 6 : i32
    %dma_start3A_79 = arith.constant 384 : i32
    %dma_start3A_80 = arith.constant 0 : i32
    %dma_start3A_81 = tpu.memref_slice %arg6[%dma_start3A_79, %dma_start3A_80] : memref<512x128xf32, #tpu.memory_space<vmem>> -> memref<64x128xf32, #tpu.memory_space<vmem>>
    %dma_start3A_82 = arith.constant 384 : i32
    %dma_start3A_83 = tpu.memref_slice %arg5[%dma_start3A_82] : memref<512xi32, #tpu.memory_space<vmem>> -> memref<64xi32, #tpu.memory_space<vmem>>
    %dma_start3A_84 = arith.constant 0 : i32
    %dma_start3A_85 = arith.constant 0 : i32
    %dma_start3A_86 = tpu.memref_slice %arg7[%dma_start3A_84, %dma_start3A_85] : memref<1000x128xf32, #tpu.memory_space<vmem_shared>> -> memref<1000x128xf32, #tpu.memory_space<vmem_shared>>
    %dma_start3A_87 = tpu.memref_slice %arg8[%dma_start3A_78] : memref<8x!tpu.dma_semaphore, #tpu.memory_space<semaphore_mem>> -> memref<1x!tpu.dma_semaphore, #tpu.memory_space<semaphore_mem>>
    %dma_start3A_88 = tpu.memref_squeeze %dma_start3A_87 : memref<1x!tpu.dma_semaphore, #tpu.memory_space<semaphore_mem>> -> memref<!tpu.dma_semaphore, #tpu.memory_space<semaphore_mem>>
    tpu.enqueue_indirect_dma source(%dma_start3A_86 : memref<1000x128xf32, #tpu.memory_space<vmem_shared>>) target(%dma_start3A_81 : memref<64x128xf32, #tpu.memory_space<vmem>>) offsets(%dma_start3A_83 : memref<64xi32, #tpu.memory_space<vmem>>) semaphore(%dma_start3A_88 : memref<!tpu.dma_semaphore, #tpu.memory_space<semaphore_mem>>)
    %dma_start3A_89 = arith.constant 7 : i32
    %dma_start3A_90 = arith.constant 448 : i32
    %dma_start3A_91 = arith.constant 0 : i32
    %dma_start3A_92 = tpu.memref_slice %arg6[%dma_start3A_90, %dma_start3A_91] : memref<512x128xf32, #tpu.memory_space<vmem>> -> memref<64x128xf32, #tpu.memory_space<vmem>>
    %dma_start3A_93 = arith.constant 448 : i32
    %dma_start3A_94 = tpu.memref_slice %arg5[%dma_start3A_93] : memref<512xi32, #tpu.memory_space<vmem>> -> memref<64xi32, #tpu.memory_space<vmem>>
    %dma_start3A_95 = arith.constant 0 : i32
    %dma_start3A_96 = arith.constant 0 : i32
    %dma_start3A_97 = tpu.memref_slice %arg7[%dma_start3A_95, %dma_start3A_96] : memref<1000x128xf32, #tpu.memory_space<vmem_shared>> -> memref<1000x128xf32, #tpu.memory_space<vmem_shared>>
    %dma_start3A_98 = tpu.memref_slice %arg8[%dma_start3A_89] : memref<8x!tpu.dma_semaphore, #tpu.memory_space<semaphore_mem>> -> memref<1x!tpu.dma_semaphore, #tpu.memory_space<semaphore_mem>>
    %dma_start3A_99 = tpu.memref_squeeze %dma_start3A_98 : memref<1x!tpu.dma_semaphore, #tpu.memory_space<semaphore_mem>> -> memref<!tpu.dma_semaphore, #tpu.memory_space<semaphore_mem>>
    tpu.enqueue_indirect_dma source(%dma_start3A_97 : memref<1000x128xf32, #tpu.memory_space<vmem_shared>>) target(%dma_start3A_92 : memref<64x128xf32, #tpu.memory_space<vmem>>) offsets(%dma_start3A_94 : memref<64xi32, #tpu.memory_space<vmem>>) semaphore(%dma_start3A_99 : memref<!tpu.dma_semaphore, #tpu.memory_space<semaphore_mem>>)
    %dma_wait3A = arith.constant 0 : i32
    %dma_wait3A_100 = arith.constant 0 : i32
    %dma_wait3A_101 = arith.constant 0 : i32
    %dma_wait3A_102 = tpu.memref_slice %arg6[%dma_wait3A_100, %dma_wait3A_101] : memref<512x128xf32, #tpu.memory_space<vmem>> -> memref<64x128xf32, #tpu.memory_space<vmem>>
    %dma_wait3A_103 = arith.constant 0 : i32
    %dma_wait3A_104 = tpu.memref_slice %arg5[%dma_wait3A_103] : memref<512xi32, #tpu.memory_space<vmem>> -> memref<64xi32, #tpu.memory_space<vmem>>
    %dma_wait3A_105 = arith.constant 0 : i32
    %dma_wait3A_106 = arith.constant 0 : i32
    %dma_wait3A_107 = tpu.memref_slice %arg7[%dma_wait3A_105, %dma_wait3A_106] : memref<1000x128xf32, #tpu.memory_space<vmem_shared>> -> memref<1000x128xf32, #tpu.memory_space<vmem_shared>>
    %dma_wait3A_108 = tpu.memref_slice %arg8[%dma_wait3A] : memref<8x!tpu.dma_semaphore, #tpu.memory_space<semaphore_mem>> -> memref<1x!tpu.dma_semaphore, #tpu.memory_space<semaphore_mem>>
    %dma_wait3A_109 = tpu.memref_squeeze %dma_wait3A_108 : memref<1x!tpu.dma_semaphore, #tpu.memory_space<semaphore_mem>> -> memref<!tpu.dma_semaphore, #tpu.memory_space<semaphore_mem>>
    tpu.wait_indirect_dma semaphore(%dma_wait3A_109 : memref<!tpu.dma_semaphore, #tpu.memory_space<semaphore_mem>>) src(%dma_wait3A_107 : memref<1000x128xf32, #tpu.memory_space<vmem_shared>>) dst(%dma_wait3A_102 : memref<64x128xf32, #tpu.memory_space<vmem>>)
    %add3A_110 = arith.constant 0 : i32
    %add3A_111 = arith.addi %mul3A_2, %add3A_110 : i32
    %dma_start3A_112 = arith.constant 0 : i32
    %dma_start3A_113 = arith.constant 0 : i32
    %dma_start3A_114 = tpu.memref_slice %arg6[%dma_start3A_112, %dma_start3A_113] : memref<512x128xf32, #tpu.memory_space<vmem>> -> memref<64x128xf32, #tpu.memory_space<vmem>>
    %dma_start3A_115 = arith.constant 0 : i32
    %dma_start3A_116 = tpu.memref_slice %arg4[%add3A_111, %dma_start3A_115] : memref<16384x128xf32, #tpu.memory_space<hbm>> -> memref<64x128xf32, #tpu.memory_space<hbm>>
    %dma_start3A_117 = arith.constant 0 : i32
    %dma_start3A_118 = tpu.memref_slice %arg4[%add3A_111, %dma_start3A_117] : memref<16384x128xf32, #tpu.memory_space<hbm>> -> memref<64x128xf32, #tpu.memory_space<hbm>>
    %dma_start3A_119 = arith.constant 0 : i32
    %dma_start3A_120 = arith.constant 0 : i32
    %dma_start3A_121 = tpu.memref_slice %arg6[%dma_start3A_119, %dma_start3A_120] : memref<512x128xf32, #tpu.memory_space<vmem>> -> memref<64x128xf32, #tpu.memory_space<vmem>>
    tpu.enqueue_dma source(%dma_start3A_121 : memref<64x128xf32, #tpu.memory_space<vmem>>) target(%dma_start3A_118 : memref<64x128xf32, #tpu.memory_space<hbm>>) target_semaphore(%arg9 : memref<!tpu.dma_semaphore, #tpu.memory_space<semaphore_mem>>)
    %dma_wait3A_122 = arith.constant 1 : i32
    %dma_wait3A_123 = arith.constant 64 : i32
    %dma_wait3A_124 = arith.constant 0 : i32
    %dma_wait3A_125 = tpu.memref_slice %arg6[%dma_wait3A_123, %dma_wait3A_124] : memref<512x128xf32, #tpu.memory_space<vmem>> -> memref<64x128xf32, #tpu.memory_space<vmem>>
    %dma_wait3A_126 = arith.constant 64 : i32
    %dma_wait3A_127 = tpu.memref_slice %arg5[%dma_wait3A_126] : memref<512xi32, #tpu.memory_space<vmem>> -> memref<64xi32, #tpu.memory_space<vmem>>
    %dma_wait3A_128 = arith.constant 0 : i32
    %dma_wait3A_129 = arith.constant 0 : i32
    %dma_wait3A_130 = tpu.memref_slice %arg7[%dma_wait3A_128, %dma_wait3A_129] : memref<1000x128xf32, #tpu.memory_space<vmem_shared>> -> memref<1000x128xf32, #tpu.memory_space<vmem_shared>>
    %dma_wait3A_131 = tpu.memref_slice %arg8[%dma_wait3A_122] : memref<8x!tpu.dma_semaphore, #tpu.memory_space<semaphore_mem>> -> memref<1x!tpu.dma_semaphore, #tpu.memory_space<semaphore_mem>>
    %dma_wait3A_132 = tpu.memref_squeeze %dma_wait3A_131 : memref<1x!tpu.dma_semaphore, #tpu.memory_space<semaphore_mem>> -> memref<!tpu.dma_semaphore, #tpu.memory_space<semaphore_mem>>
    tpu.wait_indirect_dma semaphore(%dma_wait3A_132 : memref<!tpu.dma_semaphore, #tpu.memory_space<semaphore_mem>>) src(%dma_wait3A_130 : memref<1000x128xf32, #tpu.memory_space<vmem_shared>>) dst(%dma_wait3A_125 : memref<64x128xf32, #tpu.memory_space<vmem>>)
    %add3A_133 = arith.constant 64 : i32
    %add3A_134 = arith.addi %mul3A_2, %add3A_133 : i32
    %dma_start3A_135 = arith.constant 64 : i32
    %dma_start3A_136 = arith.constant 0 : i32
    %dma_start3A_137 = tpu.memref_slice %arg6[%dma_start3A_135, %dma_start3A_136] : memref<512x128xf32, #tpu.memory_space<vmem>> -> memref<64x128xf32, #tpu.memory_space<vmem>>
    %dma_start3A_138 = arith.constant 0 : i32
    %dma_start3A_139 = tpu.memref_slice %arg4[%add3A_134, %dma_start3A_138] : memref<16384x128xf32, #tpu.memory_space<hbm>> -> memref<64x128xf32, #tpu.memory_space<hbm>>
    %dma_start3A_140 = arith.constant 0 : i32
    %dma_start3A_141 = tpu.memref_slice %arg4[%add3A_134, %dma_start3A_140] : memref<16384x128xf32, #tpu.memory_space<hbm>> -> memref<64x128xf32, #tpu.memory_space<hbm>>
    %dma_start3A_142 = arith.constant 64 : i32
    %dma_start3A_143 = arith.constant 0 : i32
    %dma_start3A_144 = tpu.memref_slice %arg6[%dma_start3A_142, %dma_start3A_143] : memref<512x128xf32, #tpu.memory_space<vmem>> -> memref<64x128xf32, #tpu.memory_space<vmem>>
    tpu.enqueue_dma source(%dma_start3A_144 : memref<64x128xf32, #tpu.memory_space<vmem>>) target(%dma_start3A_141 : memref<64x128xf32, #tpu.memory_space<hbm>>) target_semaphore(%arg9 : memref<!tpu.dma_semaphore, #tpu.memory_space<semaphore_mem>>)
    %dma_wait3A_145 = arith.constant 2 : i32
    %dma_wait3A_146 = arith.constant 128 : i32
    %dma_wait3A_147 = arith.constant 0 : i32
    %dma_wait3A_148 = tpu.memref_slice %arg6[%dma_wait3A_146, %dma_wait3A_147] : memref<512x128xf32, #tpu.memory_space<vmem>> -> memref<64x128xf32, #tpu.memory_space<vmem>>
    %dma_wait3A_149 = arith.constant 128 : i32
    %dma_wait3A_150 = tpu.memref_slice %arg5[%dma_wait3A_149] : memref<512xi32, #tpu.memory_space<vmem>> -> memref<64xi32, #tpu.memory_space<vmem>>
    %dma_wait3A_151 = arith.constant 0 : i32
    %dma_wait3A_152 = arith.constant 0 : i32
    %dma_wait3A_153 = tpu.memref_slice %arg7[%dma_wait3A_151, %dma_wait3A_152] : memref<1000x128xf32, #tpu.memory_space<vmem_shared>> -> memref<1000x128xf32, #tpu.memory_space<vmem_shared>>
    %dma_wait3A_154 = tpu.memref_slice %arg8[%dma_wait3A_145] : memref<8x!tpu.dma_semaphore, #tpu.memory_space<semaphore_mem>> -> memref<1x!tpu.dma_semaphore, #tpu.memory_space<semaphore_mem>>
    %dma_wait3A_155 = tpu.memref_squeeze %dma_wait3A_154 : memref<1x!tpu.dma_semaphore, #tpu.memory_space<semaphore_mem>> -> memref<!tpu.dma_semaphore, #tpu.memory_space<semaphore_mem>>
    tpu.wait_indirect_dma semaphore(%dma_wait3A_155 : memref<!tpu.dma_semaphore, #tpu.memory_space<semaphore_mem>>) src(%dma_wait3A_153 : memref<1000x128xf32, #tpu.memory_space<vmem_shared>>) dst(%dma_wait3A_148 : memref<64x128xf32, #tpu.memory_space<vmem>>)
    %add3A_156 = arith.constant 128 : i32
    %add3A_157 = arith.addi %mul3A_2, %add3A_156 : i32
    %dma_start3A_158 = arith.constant 128 : i32
    %dma_start3A_159 = arith.constant 0 : i32
    %dma_start3A_160 = tpu.memref_slice %arg6[%dma_start3A_158, %dma_start3A_159] : memref<512x128xf32, #tpu.memory_space<vmem>> -> memref<64x128xf32, #tpu.memory_space<vmem>>
    %dma_start3A_161 = arith.constant 0 : i32
    %dma_start3A_162 = tpu.memref_slice %arg4[%add3A_157, %dma_start3A_161] : memref<16384x128xf32, #tpu.memory_space<hbm>> -> memref<64x128xf32, #tpu.memory_space<hbm>>
    %dma_start3A_163 = arith.constant 0 : i32
    %dma_start3A_164 = tpu.memref_slice %arg4[%add3A_157, %dma_start3A_163] : memref<16384x128xf32, #tpu.memory_space<hbm>> -> memref<64x128xf32, #tpu.memory_space<hbm>>
    %dma_start3A_165 = arith.constant 128 : i32
    %dma_start3A_166 = arith.constant 0 : i32
    %dma_start3A_167 = tpu.memref_slice %arg6[%dma_start3A_165, %dma_start3A_166] : memref<512x128xf32, #tpu.memory_space<vmem>> -> memref<64x128xf32, #tpu.memory_space<vmem>>
    tpu.enqueue_dma source(%dma_start3A_167 : memref<64x128xf32, #tpu.memory_space<vmem>>) target(%dma_start3A_164 : memref<64x128xf32, #tpu.memory_space<hbm>>) target_semaphore(%arg9 : memref<!tpu.dma_semaphore, #tpu.memory_space<semaphore_mem>>)
    %dma_wait3A_168 = arith.constant 3 : i32
    %dma_wait3A_169 = arith.constant 192 : i32
    %dma_wait3A_170 = arith.constant 0 : i32
    %dma_wait3A_171 = tpu.memref_slice %arg6[%dma_wait3A_169, %dma_wait3A_170] : memref<512x128xf32, #tpu.memory_space<vmem>> -> memref<64x128xf32, #tpu.memory_space<vmem>>
    %dma_wait3A_172 = arith.constant 192 : i32
    %dma_wait3A_173 = tpu.memref_slice %arg5[%dma_wait3A_172] : memref<512xi32, #tpu.memory_space<vmem>> -> memref<64xi32, #tpu.memory_space<vmem>>
    %dma_wait3A_174 = arith.constant 0 : i32
    %dma_wait3A_175 = arith.constant 0 : i32
    %dma_wait3A_176 = tpu.memref_slice %arg7[%dma_wait3A_174, %dma_wait3A_175] : memref<1000x128xf32, #tpu.memory_space<vmem_shared>> -> memref<1000x128xf32, #tpu.memory_space<vmem_shared>>
    %dma_wait3A_177 = tpu.memref_slice %arg8[%dma_wait3A_168] : memref<8x!tpu.dma_semaphore, #tpu.memory_space<semaphore_mem>> -> memref<1x!tpu.dma_semaphore, #tpu.memory_space<semaphore_mem>>
    %dma_wait3A_178 = tpu.memref_squeeze %dma_wait3A_177 : memref<1x!tpu.dma_semaphore, #tpu.memory_space<semaphore_mem>> -> memref<!tpu.dma_semaphore, #tpu.memory_space<semaphore_mem>>
    tpu.wait_indirect_dma semaphore(%dma_wait3A_178 : memref<!tpu.dma_semaphore, #tpu.memory_space<semaphore_mem>>) src(%dma_wait3A_176 : memref<1000x128xf32, #tpu.memory_space<vmem_shared>>) dst(%dma_wait3A_171 : memref<64x128xf32, #tpu.memory_space<vmem>>)
    %add3A_179 = arith.constant 192 : i32
    %add3A_180 = arith.addi %mul3A_2, %add3A_179 : i32
    %dma_start3A_181 = arith.constant 192 : i32
    %dma_start3A_182 = arith.constant 0 : i32
    %dma_start3A_183 = tpu.memref_slice %arg6[%dma_start3A_181, %dma_start3A_182] : memref<512x128xf32, #tpu.memory_space<vmem>> -> memref<64x128xf32, #tpu.memory_space<vmem>>
    %dma_start3A_184 = arith.constant 0 : i32
    %dma_start3A_185 = tpu.memref_slice %arg4[%add3A_180, %dma_start3A_184] : memref<16384x128xf32, #tpu.memory_space<hbm>> -> memref<64x128xf32, #tpu.memory_space<hbm>>
    %dma_start3A_186 = arith.constant 0 : i32
    %dma_start3A_187 = tpu.memref_slice %arg4[%add3A_180, %dma_start3A_186] : memref<16384x128xf32, #tpu.memory_space<hbm>> -> memref<64x128xf32, #tpu.memory_space<hbm>>
    %dma_start3A_188 = arith.constant 192 : i32
    %dma_start3A_189 = arith.constant 0 : i32
    %dma_start3A_190 = tpu.memref_slice %arg6[%dma_start3A_188, %dma_start3A_189] : memref<512x128xf32, #tpu.memory_space<vmem>> -> memref<64x128xf32, #tpu.memory_space<vmem>>
    tpu.enqueue_dma source(%dma_start3A_190 : memref<64x128xf32, #tpu.memory_space<vmem>>) target(%dma_start3A_187 : memref<64x128xf32, #tpu.memory_space<hbm>>) target_semaphore(%arg9 : memref<!tpu.dma_semaphore, #tpu.memory_space<semaphore_mem>>)
    %dma_wait3A_191 = arith.constant 4 : i32
    %dma_wait3A_192 = arith.constant 256 : i32
    %dma_wait3A_193 = arith.constant 0 : i32
    %dma_wait3A_194 = tpu.memref_slice %arg6[%dma_wait3A_192, %dma_wait3A_193] : memref<512x128xf32, #tpu.memory_space<vmem>> -> memref<64x128xf32, #tpu.memory_space<vmem>>
    %dma_wait3A_195 = arith.constant 256 : i32
    %dma_wait3A_196 = tpu.memref_slice %arg5[%dma_wait3A_195] : memref<512xi32, #tpu.memory_space<vmem>> -> memref<64xi32, #tpu.memory_space<vmem>>
    %dma_wait3A_197 = arith.constant 0 : i32
    %dma_wait3A_198 = arith.constant 0 : i32
    %dma_wait3A_199 = tpu.memref_slice %arg7[%dma_wait3A_197, %dma_wait3A_198] : memref<1000x128xf32, #tpu.memory_space<vmem_shared>> -> memref<1000x128xf32, #tpu.memory_space<vmem_shared>>
    %dma_wait3A_200 = tpu.memref_slice %arg8[%dma_wait3A_191] : memref<8x!tpu.dma_semaphore, #tpu.memory_space<semaphore_mem>> -> memref<1x!tpu.dma_semaphore, #tpu.memory_space<semaphore_mem>>
    %dma_wait3A_201 = tpu.memref_squeeze %dma_wait3A_200 : memref<1x!tpu.dma_semaphore, #tpu.memory_space<semaphore_mem>> -> memref<!tpu.dma_semaphore, #tpu.memory_space<semaphore_mem>>
    tpu.wait_indirect_dma semaphore(%dma_wait3A_201 : memref<!tpu.dma_semaphore, #tpu.memory_space<semaphore_mem>>) src(%dma_wait3A_199 : memref<1000x128xf32, #tpu.memory_space<vmem_shared>>) dst(%dma_wait3A_194 : memref<64x128xf32, #tpu.memory_space<vmem>>)
    %add3A_202 = arith.constant 256 : i32
    %add3A_203 = arith.addi %mul3A_2, %add3A_202 : i32
    %dma_start3A_204 = arith.constant 256 : i32
    %dma_start3A_205 = arith.constant 0 : i32
    %dma_start3A_206 = tpu.memref_slice %arg6[%dma_start3A_204, %dma_start3A_205] : memref<512x128xf32, #tpu.memory_space<vmem>> -> memref<64x128xf32, #tpu.memory_space<vmem>>
    %dma_start3A_207 = arith.constant 0 : i32
    %dma_start3A_208 = tpu.memref_slice %arg4[%add3A_203, %dma_start3A_207] : memref<16384x128xf32, #tpu.memory_space<hbm>> -> memref<64x128xf32, #tpu.memory_space<hbm>>
    %dma_start3A_209 = arith.constant 0 : i32
    %dma_start3A_210 = tpu.memref_slice %arg4[%add3A_203, %dma_start3A_209] : memref<16384x128xf32, #tpu.memory_space<hbm>> -> memref<64x128xf32, #tpu.memory_space<hbm>>
    %dma_start3A_211 = arith.constant 256 : i32
    %dma_start3A_212 = arith.constant 0 : i32
    %dma_start3A_213 = tpu.memref_slice %arg6[%dma_start3A_211, %dma_start3A_212] : memref<512x128xf32, #tpu.memory_space<vmem>> -> memref<64x128xf32, #tpu.memory_space<vmem>>
    tpu.enqueue_dma source(%dma_start3A_213 : memref<64x128xf32, #tpu.memory_space<vmem>>) target(%dma_start3A_210 : memref<64x128xf32, #tpu.memory_space<hbm>>) target_semaphore(%arg9 : memref<!tpu.dma_semaphore, #tpu.memory_space<semaphore_mem>>)
    %dma_wait3A_214 = arith.constant 5 : i32
    %dma_wait3A_215 = arith.constant 320 : i32
    %dma_wait3A_216 = arith.constant 0 : i32
    %dma_wait3A_217 = tpu.memref_slice %arg6[%dma_wait3A_215, %dma_wait3A_216] : memref<512x128xf32, #tpu.memory_space<vmem>> -> memref<64x128xf32, #tpu.memory_space<vmem>>
    %dma_wait3A_218 = arith.constant 320 : i32
    %dma_wait3A_219 = tpu.memref_slice %arg5[%dma_wait3A_218] : memref<512xi32, #tpu.memory_space<vmem>> -> memref<64xi32, #tpu.memory_space<vmem>>
    %dma_wait3A_220 = arith.constant 0 : i32
    %dma_wait3A_221 = arith.constant 0 : i32
    %dma_wait3A_222 = tpu.memref_slice %arg7[%dma_wait3A_220, %dma_wait3A_221] : memref<1000x128xf32, #tpu.memory_space<vmem_shared>> -> memref<1000x128xf32, #tpu.memory_space<vmem_shared>>
    %dma_wait3A_223 = tpu.memref_slice %arg8[%dma_wait3A_214] : memref<8x!tpu.dma_semaphore, #tpu.memory_space<semaphore_mem>> -> memref<1x!tpu.dma_semaphore, #tpu.memory_space<semaphore_mem>>
    %dma_wait3A_224 = tpu.memref_squeeze %dma_wait3A_223 : memref<1x!tpu.dma_semaphore, #tpu.memory_space<semaphore_mem>> -> memref<!tpu.dma_semaphore, #tpu.memory_space<semaphore_mem>>
    tpu.wait_indirect_dma semaphore(%dma_wait3A_224 : memref<!tpu.dma_semaphore, #tpu.memory_space<semaphore_mem>>) src(%dma_wait3A_222 : memref<1000x128xf32, #tpu.memory_space<vmem_shared>>) dst(%dma_wait3A_217 : memref<64x128xf32, #tpu.memory_space<vmem>>)
    %add3A_225 = arith.constant 320 : i32
    %add3A_226 = arith.addi %mul3A_2, %add3A_225 : i32
    %dma_start3A_227 = arith.constant 320 : i32
    %dma_start3A_228 = arith.constant 0 : i32
    %dma_start3A_229 = tpu.memref_slice %arg6[%dma_start3A_227, %dma_start3A_228] : memref<512x128xf32, #tpu.memory_space<vmem>> -> memref<64x128xf32, #tpu.memory_space<vmem>>
    %dma_start3A_230 = arith.constant 0 : i32
    %dma_start3A_231 = tpu.memref_slice %arg4[%add3A_226, %dma_start3A_230] : memref<16384x128xf32, #tpu.memory_space<hbm>> -> memref<64x128xf32, #tpu.memory_space<hbm>>
    %dma_start3A_232 = arith.constant 0 : i32
    %dma_start3A_233 = tpu.memref_slice %arg4[%add3A_226, %dma_start3A_232] : memref<16384x128xf32, #tpu.memory_space<hbm>> -> memref<64x128xf32, #tpu.memory_space<hbm>>
    %dma_start3A_234 = arith.constant 320 : i32
    %dma_start3A_235 = arith.constant 0 : i32
    %dma_start3A_236 = tpu.memref_slice %arg6[%dma_start3A_234, %dma_start3A_235] : memref<512x128xf32, #tpu.memory_space<vmem>> -> memref<64x128xf32, #tpu.memory_space<vmem>>
    tpu.enqueue_dma source(%dma_start3A_236 : memref<64x128xf32, #tpu.memory_space<vmem>>) target(%dma_start3A_233 : memref<64x128xf32, #tpu.memory_space<hbm>>) target_semaphore(%arg9 : memref<!tpu.dma_semaphore, #tpu.memory_space<semaphore_mem>>)
    %dma_wait3A_237 = arith.constant 6 : i32
    %dma_wait3A_238 = arith.constant 384 : i32
    %dma_wait3A_239 = arith.constant 0 : i32
    %dma_wait3A_240 = tpu.memref_slice %arg6[%dma_wait3A_238, %dma_wait3A_239] : memref<512x128xf32, #tpu.memory_space<vmem>> -> memref<64x128xf32, #tpu.memory_space<vmem>>
    %dma_wait3A_241 = arith.constant 384 : i32
    %dma_wait3A_242 = tpu.memref_slice %arg5[%dma_wait3A_241] : memref<512xi32, #tpu.memory_space<vmem>> -> memref<64xi32, #tpu.memory_space<vmem>>
    %dma_wait3A_243 = arith.constant 0 : i32
    %dma_wait3A_244 = arith.constant 0 : i32
    %dma_wait3A_245 = tpu.memref_slice %arg7[%dma_wait3A_243, %dma_wait3A_244] : memref<1000x128xf32, #tpu.memory_space<vmem_shared>> -> memref<1000x128xf32, #tpu.memory_space<vmem_shared>>
    %dma_wait3A_246 = tpu.memref_slice %arg8[%dma_wait3A_237] : memref<8x!tpu.dma_semaphore, #tpu.memory_space<semaphore_mem>> -> memref<1x!tpu.dma_semaphore, #tpu.memory_space<semaphore_mem>>
    %dma_wait3A_247 = tpu.memref_squeeze %dma_wait3A_246 : memref<1x!tpu.dma_semaphore, #tpu.memory_space<semaphore_mem>> -> memref<!tpu.dma_semaphore, #tpu.memory_space<semaphore_mem>>
    tpu.wait_indirect_dma semaphore(%dma_wait3A_247 : memref<!tpu.dma_semaphore, #tpu.memory_space<semaphore_mem>>) src(%dma_wait3A_245 : memref<1000x128xf32, #tpu.memory_space<vmem_shared>>) dst(%dma_wait3A_240 : memref<64x128xf32, #tpu.memory_space<vmem>>)
    %add3A_248 = arith.constant 384 : i32
    %add3A_249 = arith.addi %mul3A_2, %add3A_248 : i32
    %dma_start3A_250 = arith.constant 384 : i32
    %dma_start3A_251 = arith.constant 0 : i32
    %dma_start3A_252 = tpu.memref_slice %arg6[%dma_start3A_250, %dma_start3A_251] : memref<512x128xf32, #tpu.memory_space<vmem>> -> memref<64x128xf32, #tpu.memory_space<vmem>>
    %dma_start3A_253 = arith.constant 0 : i32
    %dma_start3A_254 = tpu.memref_slice %arg4[%add3A_249, %dma_start3A_253] : memref<16384x128xf32, #tpu.memory_space<hbm>> -> memref<64x128xf32, #tpu.memory_space<hbm>>
    %dma_start3A_255 = arith.constant 0 : i32
    %dma_start3A_256 = tpu.memref_slice %arg4[%add3A_249, %dma_start3A_255] : memref<16384x128xf32, #tpu.memory_space<hbm>> -> memref<64x128xf32, #tpu.memory_space<hbm>>
    %dma_start3A_257 = arith.constant 384 : i32
    %dma_start3A_258 = arith.constant 0 : i32
    %dma_start3A_259 = tpu.memref_slice %arg6[%dma_start3A_257, %dma_start3A_258] : memref<512x128xf32, #tpu.memory_space<vmem>> -> memref<64x128xf32, #tpu.memory_space<vmem>>
    tpu.enqueue_dma source(%dma_start3A_259 : memref<64x128xf32, #tpu.memory_space<vmem>>) target(%dma_start3A_256 : memref<64x128xf32, #tpu.memory_space<hbm>>) target_semaphore(%arg9 : memref<!tpu.dma_semaphore, #tpu.memory_space<semaphore_mem>>)
    %dma_wait3A_260 = arith.constant 7 : i32
    %dma_wait3A_261 = arith.constant 448 : i32
    %dma_wait3A_262 = arith.constant 0 : i32
    %dma_wait3A_263 = tpu.memref_slice %arg6[%dma_wait3A_261, %dma_wait3A_262] : memref<512x128xf32, #tpu.memory_space<vmem>> -> memref<64x128xf32, #tpu.memory_space<vmem>>
    %dma_wait3A_264 = arith.constant 448 : i32
    %dma_wait3A_265 = tpu.memref_slice %arg5[%dma_wait3A_264] : memref<512xi32, #tpu.memory_space<vmem>> -> memref<64xi32, #tpu.memory_space<vmem>>
    %dma_wait3A_266 = arith.constant 0 : i32
    %dma_wait3A_267 = arith.constant 0 : i32
    %dma_wait3A_268 = tpu.memref_slice %arg7[%dma_wait3A_266, %dma_wait3A_267] : memref<1000x128xf32, #tpu.memory_space<vmem_shared>> -> memref<1000x128xf32, #tpu.memory_space<vmem_shared>>
    %dma_wait3A_269 = tpu.memref_slice %arg8[%dma_wait3A_260] : memref<8x!tpu.dma_semaphore, #tpu.memory_space<semaphore_mem>> -> memref<1x!tpu.dma_semaphore, #tpu.memory_space<semaphore_mem>>
    %dma_wait3A_270 = tpu.memref_squeeze %dma_wait3A_269 : memref<1x!tpu.dma_semaphore, #tpu.memory_space<semaphore_mem>> -> memref<!tpu.dma_semaphore, #tpu.memory_space<semaphore_mem>>
    tpu.wait_indirect_dma semaphore(%dma_wait3A_270 : memref<!tpu.dma_semaphore, #tpu.memory_space<semaphore_mem>>) src(%dma_wait3A_268 : memref<1000x128xf32, #tpu.memory_space<vmem_shared>>) dst(%dma_wait3A_263 : memref<64x128xf32, #tpu.memory_space<vmem>>)
    %add3A_271 = arith.constant 448 : i32
    %add3A_272 = arith.addi %mul3A_2, %add3A_271 : i32
    %dma_start3A_273 = arith.constant 448 : i32
    %dma_start3A_274 = arith.constant 0 : i32
    %dma_start3A_275 = tpu.memref_slice %arg6[%dma_start3A_273, %dma_start3A_274] : memref<512x128xf32, #tpu.memory_space<vmem>> -> memref<64x128xf32, #tpu.memory_space<vmem>>
    %dma_start3A_276 = arith.constant 0 : i32
    %dma_start3A_277 = tpu.memref_slice %arg4[%add3A_272, %dma_start3A_276] : memref<16384x128xf32, #tpu.memory_space<hbm>> -> memref<64x128xf32, #tpu.memory_space<hbm>>
    %dma_start3A_278 = arith.constant 0 : i32
    %dma_start3A_279 = tpu.memref_slice %arg4[%add3A_272, %dma_start3A_278] : memref<16384x128xf32, #tpu.memory_space<hbm>> -> memref<64x128xf32, #tpu.memory_space<hbm>>
    %dma_start3A_280 = arith.constant 448 : i32
    %dma_start3A_281 = arith.constant 0 : i32
    %dma_start3A_282 = tpu.memref_slice %arg6[%dma_start3A_280, %dma_start3A_281] : memref<512x128xf32, #tpu.memory_space<vmem>> -> memref<64x128xf32, #tpu.memory_space<vmem>>
    tpu.enqueue_dma source(%dma_start3A_282 : memref<64x128xf32, #tpu.memory_space<vmem>>) target(%dma_start3A_279 : memref<64x128xf32, #tpu.memory_space<hbm>>) target_semaphore(%arg9 : memref<!tpu.dma_semaphore, #tpu.memory_space<semaphore_mem>>)
    %dma_wait3A_283 = arith.constant 0 : i32
    %dma_wait3A_284 = arith.constant 0 : i32
    %dma_wait3A_285 = tpu.memref_slice %arg6[%dma_wait3A_283, %dma_wait3A_284] : memref<512x128xf32, #tpu.memory_space<vmem>> -> memref<64x128xf32, #tpu.memory_space<vmem>>
    %dma_wait3A_286 = arith.constant 0 : i32
    %dma_wait3A_287 = tpu.memref_slice %arg4[%add3A_111, %dma_wait3A_286] : memref<16384x128xf32, #tpu.memory_space<hbm>> -> memref<64x128xf32, #tpu.memory_space<hbm>>
    %dma_wait3A_288 = arith.constant 0 : i32
    %dma_wait3A_289 = tpu.memref_slice %arg4[%add3A_111, %dma_wait3A_288] : memref<16384x128xf32, #tpu.memory_space<hbm>> -> memref<64x128xf32, #tpu.memory_space<hbm>>
    %dma_wait3A_290 = arith.constant 0 : i32
    %dma_wait3A_291 = arith.constant 0 : i32
    %dma_wait3A_292 = tpu.memref_slice %arg6[%dma_wait3A_290, %dma_wait3A_291] : memref<512x128xf32, #tpu.memory_space<vmem>> -> memref<64x128xf32, #tpu.memory_space<vmem>>
    tpu.wait_dma2 semaphore(%arg9 : memref<!tpu.dma_semaphore, #tpu.memory_space<semaphore_mem>>) src(%dma_wait3A_292 : memref<64x128xf32, #tpu.memory_space<vmem>>) dst(%dma_wait3A_289 : memref<64x128xf32, #tpu.memory_space<hbm>>)
    %dma_wait3A_293 = arith.constant 64 : i32
    %dma_wait3A_294 = arith.constant 0 : i32
    %dma_wait3A_295 = tpu.memref_slice %arg6[%dma_wait3A_293, %dma_wait3A_294] : memref<512x128xf32, #tpu.memory_space<vmem>> -> memref<64x128xf32, #tpu.memory_space<vmem>>
    %dma_wait3A_296 = arith.constant 0 : i32
    %dma_wait3A_297 = tpu.memref_slice %arg4[%add3A_134, %dma_wait3A_296] : memref<16384x128xf32, #tpu.memory_space<hbm>> -> memref<64x128xf32, #tpu.memory_space<hbm>>
    %dma_wait3A_298 = arith.constant 0 : i32
    %dma_wait3A_299 = tpu.memref_slice %arg4[%add3A_134, %dma_wait3A_298] : memref<16384x128xf32, #tpu.memory_space<hbm>> -> memref<64x128xf32, #tpu.memory_space<hbm>>
    %dma_wait3A_300 = arith.constant 64 : i32
    %dma_wait3A_301 = arith.constant 0 : i32
    %dma_wait3A_302 = tpu.memref_slice %arg6[%dma_wait3A_300, %dma_wait3A_301] : memref<512x128xf32, #tpu.memory_space<vmem>> -> memref<64x128xf32, #tpu.memory_space<vmem>>
    tpu.wait_dma2 semaphore(%arg9 : memref<!tpu.dma_semaphore, #tpu.memory_space<semaphore_mem>>) src(%dma_wait3A_302 : memref<64x128xf32, #tpu.memory_space<vmem>>) dst(%dma_wait3A_299 : memref<64x128xf32, #tpu.memory_space<hbm>>)
    %dma_wait3A_303 = arith.constant 128 : i32
    %dma_wait3A_304 = arith.constant 0 : i32
    %dma_wait3A_305 = tpu.memref_slice %arg6[%dma_wait3A_303, %dma_wait3A_304] : memref<512x128xf32, #tpu.memory_space<vmem>> -> memref<64x128xf32, #tpu.memory_space<vmem>>
    %dma_wait3A_306 = arith.constant 0 : i32
    %dma_wait3A_307 = tpu.memref_slice %arg4[%add3A_157, %dma_wait3A_306] : memref<16384x128xf32, #tpu.memory_space<hbm>> -> memref<64x128xf32, #tpu.memory_space<hbm>>
    %dma_wait3A_308 = arith.constant 0 : i32
    %dma_wait3A_309 = tpu.memref_slice %arg4[%add3A_157, %dma_wait3A_308] : memref<16384x128xf32, #tpu.memory_space<hbm>> -> memref<64x128xf32, #tpu.memory_space<hbm>>
    %dma_wait3A_310 = arith.constant 128 : i32
    %dma_wait3A_311 = arith.constant 0 : i32
    %dma_wait3A_312 = tpu.memref_slice %arg6[%dma_wait3A_310, %dma_wait3A_311] : memref<512x128xf32, #tpu.memory_space<vmem>> -> memref<64x128xf32, #tpu.memory_space<vmem>>
    tpu.wait_dma2 semaphore(%arg9 : memref<!tpu.dma_semaphore, #tpu.memory_space<semaphore_mem>>) src(%dma_wait3A_312 : memref<64x128xf32, #tpu.memory_space<vmem>>) dst(%dma_wait3A_309 : memref<64x128xf32, #tpu.memory_space<hbm>>)
    %dma_wait3A_313 = arith.constant 192 : i32
    %dma_wait3A_314 = arith.constant 0 : i32
    %dma_wait3A_315 = tpu.memref_slice %arg6[%dma_wait3A_313, %dma_wait3A_314] : memref<512x128xf32, #tpu.memory_space<vmem>> -> memref<64x128xf32, #tpu.memory_space<vmem>>
    %dma_wait3A_316 = arith.constant 0 : i32
    %dma_wait3A_317 = tpu.memref_slice %arg4[%add3A_180, %dma_wait3A_316] : memref<16384x128xf32, #tpu.memory_space<hbm>> -> memref<64x128xf32, #tpu.memory_space<hbm>>
    %dma_wait3A_318 = arith.constant 0 : i32
    %dma_wait3A_319 = tpu.memref_slice %arg4[%add3A_180, %dma_wait3A_318] : memref<16384x128xf32, #tpu.memory_space<hbm>> -> memref<64x128xf32, #tpu.memory_space<hbm>>
    %dma_wait3A_320 = arith.constant 192 : i32
    %dma_wait3A_321 = arith.constant 0 : i32
    %dma_wait3A_322 = tpu.memref_slice %arg6[%dma_wait3A_320, %dma_wait3A_321] : memref<512x128xf32, #tpu.memory_space<vmem>> -> memref<64x128xf32, #tpu.memory_space<vmem>>
    tpu.wait_dma2 semaphore(%arg9 : memref<!tpu.dma_semaphore, #tpu.memory_space<semaphore_mem>>) src(%dma_wait3A_322 : memref<64x128xf32, #tpu.memory_space<vmem>>) dst(%dma_wait3A_319 : memref<64x128xf32, #tpu.memory_space<hbm>>)
    %dma_wait3A_323 = arith.constant 256 : i32
    %dma_wait3A_324 = arith.constant 0 : i32
    %dma_wait3A_325 = tpu.memref_slice %arg6[%dma_wait3A_323, %dma_wait3A_324] : memref<512x128xf32, #tpu.memory_space<vmem>> -> memref<64x128xf32, #tpu.memory_space<vmem>>
    %dma_wait3A_326 = arith.constant 0 : i32
    %dma_wait3A_327 = tpu.memref_slice %arg4[%add3A_203, %dma_wait3A_326] : memref<16384x128xf32, #tpu.memory_space<hbm>> -> memref<64x128xf32, #tpu.memory_space<hbm>>
    %dma_wait3A_328 = arith.constant 0 : i32
    %dma_wait3A_329 = tpu.memref_slice %arg4[%add3A_203, %dma_wait3A_328] : memref<16384x128xf32, #tpu.memory_space<hbm>> -> memref<64x128xf32, #tpu.memory_space<hbm>>
    %dma_wait3A_330 = arith.constant 256 : i32
    %dma_wait3A_331 = arith.constant 0 : i32
    %dma_wait3A_332 = tpu.memref_slice %arg6[%dma_wait3A_330, %dma_wait3A_331] : memref<512x128xf32, #tpu.memory_space<vmem>> -> memref<64x128xf32, #tpu.memory_space<vmem>>
    tpu.wait_dma2 semaphore(%arg9 : memref<!tpu.dma_semaphore, #tpu.memory_space<semaphore_mem>>) src(%dma_wait3A_332 : memref<64x128xf32, #tpu.memory_space<vmem>>) dst(%dma_wait3A_329 : memref<64x128xf32, #tpu.memory_space<hbm>>)
    %dma_wait3A_333 = arith.constant 320 : i32
    %dma_wait3A_334 = arith.constant 0 : i32
    %dma_wait3A_335 = tpu.memref_slice %arg6[%dma_wait3A_333, %dma_wait3A_334] : memref<512x128xf32, #tpu.memory_space<vmem>> -> memref<64x128xf32, #tpu.memory_space<vmem>>
    %dma_wait3A_336 = arith.constant 0 : i32
    %dma_wait3A_337 = tpu.memref_slice %arg4[%add3A_226, %dma_wait3A_336] : memref<16384x128xf32, #tpu.memory_space<hbm>> -> memref<64x128xf32, #tpu.memory_space<hbm>>
    %dma_wait3A_338 = arith.constant 0 : i32
    %dma_wait3A_339 = tpu.memref_slice %arg4[%add3A_226, %dma_wait3A_338] : memref<16384x128xf32, #tpu.memory_space<hbm>> -> memref<64x128xf32, #tpu.memory_space<hbm>>
    %dma_wait3A_340 = arith.constant 320 : i32
    %dma_wait3A_341 = arith.constant 0 : i32
    %dma_wait3A_342 = tpu.memref_slice %arg6[%dma_wait3A_340, %dma_wait3A_341] : memref<512x128xf32, #tpu.memory_space<vmem>> -> memref<64x128xf32, #tpu.memory_space<vmem>>
    tpu.wait_dma2 semaphore(%arg9 : memref<!tpu.dma_semaphore, #tpu.memory_space<semaphore_mem>>) src(%dma_wait3A_342 : memref<64x128xf32, #tpu.memory_space<vmem>>) dst(%dma_wait3A_339 : memref<64x128xf32, #tpu.memory_space<hbm>>)
    %dma_wait3A_343 = arith.constant 384 : i32
    %dma_wait3A_344 = arith.constant 0 : i32
    %dma_wait3A_345 = tpu.memref_slice %arg6[%dma_wait3A_343, %dma_wait3A_344] : memref<512x128xf32, #tpu.memory_space<vmem>> -> memref<64x128xf32, #tpu.memory_space<vmem>>
    %dma_wait3A_346 = arith.constant 0 : i32
    %dma_wait3A_347 = tpu.memref_slice %arg4[%add3A_249, %dma_wait3A_346] : memref<16384x128xf32, #tpu.memory_space<hbm>> -> memref<64x128xf32, #tpu.memory_space<hbm>>
    %dma_wait3A_348 = arith.constant 0 : i32
    %dma_wait3A_349 = tpu.memref_slice %arg4[%add3A_249, %dma_wait3A_348] : memref<16384x128xf32, #tpu.memory_space<hbm>> -> memref<64x128xf32, #tpu.memory_space<hbm>>
    %dma_wait3A_350 = arith.constant 384 : i32
    %dma_wait3A_351 = arith.constant 0 : i32
    %dma_wait3A_352 = tpu.memref_slice %arg6[%dma_wait3A_350, %dma_wait3A_351] : memref<512x128xf32, #tpu.memory_space<vmem>> -> memref<64x128xf32, #tpu.memory_space<vmem>>
    tpu.wait_dma2 semaphore(%arg9 : memref<!tpu.dma_semaphore, #tpu.memory_space<semaphore_mem>>) src(%dma_wait3A_352 : memref<64x128xf32, #tpu.memory_space<vmem>>) dst(%dma_wait3A_349 : memref<64x128xf32, #tpu.memory_space<hbm>>)
    %dma_wait3A_353 = arith.constant 448 : i32
    %dma_wait3A_354 = arith.constant 0 : i32
    %dma_wait3A_355 = tpu.memref_slice %arg6[%dma_wait3A_353, %dma_wait3A_354] : memref<512x128xf32, #tpu.memory_space<vmem>> -> memref<64x128xf32, #tpu.memory_space<vmem>>
    %dma_wait3A_356 = arith.constant 0 : i32
    %dma_wait3A_357 = tpu.memref_slice %arg4[%add3A_272, %dma_wait3A_356] : memref<16384x128xf32, #tpu.memory_space<hbm>> -> memref<64x128xf32, #tpu.memory_space<hbm>>
    %dma_wait3A_358 = arith.constant 0 : i32
    %dma_wait3A_359 = tpu.memref_slice %arg4[%add3A_272, %dma_wait3A_358] : memref<16384x128xf32, #tpu.memory_space<hbm>> -> memref<64x128xf32, #tpu.memory_space<hbm>>
    %dma_wait3A_360 = arith.constant 448 : i32
    %dma_wait3A_361 = arith.constant 0 : i32
    %dma_wait3A_362 = tpu.memref_slice %arg6[%dma_wait3A_360, %dma_wait3A_361] : memref<512x128xf32, #tpu.memory_space<vmem>> -> memref<64x128xf32, #tpu.memory_space<vmem>>
    tpu.wait_dma2 semaphore(%arg9 : memref<!tpu.dma_semaphore, #tpu.memory_space<semaphore_mem>>) src(%dma_wait3A_362 : memref<64x128xf32, #tpu.memory_space<vmem>>) dst(%dma_wait3A_359 : memref<64x128xf32, #tpu.memory_space<hbm>>)
    return
  }
}

</mosaic_0001>

<sc_bundles>
// kernel: kernel.3.cloned.1.call-start
scs
__scs_entry_jumppad:
0x0: {  	(pc) =	sbr.rel $0x88, $3  }
0x1: {  	(tag) =	ssettag $0x0;
	lr =	simm.s32 $0x1  }
0x2: {  	[smem:$0x3F9F] =	sst lr;
	_ =	strace $0xD0000000  }
0x3: {  	_ = 	snop  }
0x4: {  	_ = 	snop  }
0x5: {  	_ = 	snop  }
0x6: {  	_ = 	snop  }
0x7: {  	_ = 	snop  }
__scs_overlays_trampoline_lowered:
0x8: {  	[smem:$0x3FAE] =	sst s0  }
0x9: {  	[smem:$0x3FAF] =	sst s1  }
0xa: {  	[smem:$0x3FB0] =	sst s2  }
0xb: {  	[smem:$0x3FB1] =	sst s3  }
0xc: {  	[smem:$0x3FB2] =	sst s4  }
0xd: {  	[smem:$0x3FB3] =	sst s5  }
0xe: {  	[smem:$0x3FB4] =	sst s6  }
0xf: {  	[smem:$0x3FB5] =	sst s7  }
0x10: {  	[smem:$0x3FB6] =	sst s8  }
0x11: {  	[smem:$0x3FB7] =	sst s9;
	s0 =	simm.s32 @!p0 $0x0  }
0x12: {  	s1 =	sld [smem:$0x3F9D];
	s0 =	simm.s32 @p0 $0x1  }
0x13: {  	[smem:$0x3FB8] =	sst s0;
	s0 =	simm.s32 @!p1 $0x0  }
0x14: {  	s2 =	sld [smem:$0x3F9C];
	s0 =	simm.s32 @p1 $0x1  }
0x15: {  	[smem:$0x3FB9] =	sst s0;
	s0 =	simm.s32 @!p2 $0x0  }
0x16: {  	s3 =	sld [smem:$0x3FDB];
	s0 =	simm.s32 @p2 $0x1  }
0x17: {  	s4 =	simm.s32 $0x1BF5;
	[smem:$0x3FBB] =	sst s0  }
0x18: {  	s0 =	sld [smem:$0x3F9E];
	_ =	swait.ge [sflag:s4], $0x0  }
0x19: {  	s7 =	sld [smem:$0x3F9F]  }
0x1a: {  	s8 =	sadd.s32 $0xFFFFE003, lr  }
0x1b: {  	s9 =	sadd.s32 $0xFFFFFEF7, lr;
	s5 =	simm.s32 $0xFFFFFFFF;
	p2 =	slt.u32 s8, $0xFFFFF086  }
0x1c: {  	p1 =	slt.u32 s9, $0xF7A;
	s5 =	simm.s32 @!p2 $0x0  }
0x1d: {  	s5 =	simm.s32 @p1 $0x1;
	p0 =	seq.s32 s7, s2  }
0x1e: {  	s7 =	smul.u32 @!p0 $0xF7A, s2;
	p2 =	seq.s32 @!p0 s5, $0x0  }
0x1f: {  	s9 =	smul.u32 $0xF7A, s1;
	s8 =	simm.s32 @!p0 $0x1BF5;
	p2 =	por !p2, p0  }
0x20: {  	[sflag:s8] =	ssyncset.s32 @!p0 $0xFFFFF086;
	s6 =	sadd.s32 @!p0 s3, s7;
	s7 =	simm.s32 @!p0 $0x108  }
0x21: {  	s3 =	sadd.s32 s3, s9;
	s6 =	sadd.s32 @!p0 $0x88, s6;
	s7 =	simm.s32 @p2 $0x1082  }
0x22: {  	[simem:s7], [sflag:s8] =	dma.local @!p0 [hbm:s6], $0xF7A  }
0x23: {  	s9 =	sor.u32 $0xD0000000, s2;
	s6 =	simm.s32 $0x108;
	_ =	swait.ge @!p0 [sflag:s8], $0x0  }
0x24: {  	s3 =	sadd.s32 $0x88, s3;
	s6 =	simm.s32 @!p1 $0x1082;
	[sflag:s4] =	ssyncset.s32 $0xFFFFF086  }
0x25: {  	[simem:s6], [sflag:s4] =	dma.local [hbm:s3], $0xF7A  }
0x26: {  	[smem:$0x3F9F] =	sst s1;
	(tag) =	ssettag s2;
	_ =	strace s9  }
0x27: {  	s1 =	sld [smem:$0x3FAF]  }
0x28: {  	s2 =	sld [smem:$0x3FB0]  }
0x29: {  	s4 =	sld [smem:$0x3FB2]  }
0x2a: {  	p0 =	seq.s32 s5, $0x0;
	s5 =	sld [smem:$0x3FB3]  }
0x2b: {  	s6 =	sld [smem:$0x3FB4]  }
0x2c: {  	s7 =	sld [smem:$0x3FB5]  }
0x2d: {  	s3 =	simm.s32 $0x108;
	s8 =	sld [smem:$0x3FB6]  }
0x2e: {  	s3 =	simm.s32 @!p0 $0x1082;
	s9 =	sld [smem:$0x3FB7]  }
0x2f: {  	lr =	sadd.s32 s0, s3;
	s0 =	sld [smem:$0x3FAE]  }
0x30: {  	s3 =	sld [smem:$0x3FB1]  }
0x31: {  	[smem:$0x3FBA] =	sst s10  }
0x32: {  	s10 =	sld [smem:$0x3FB8];
	_ =	sdelay $0x3  }
0x33: {  	p0 =	seq.s32 s10, $0x1;
	s10 =	sld [smem:$0x3FBA];
	_ =	sdelay $0x3  }
0x34: {  	[smem:$0x3FBA] =	sst s10  }
0x35: {  	s10 =	sld [smem:$0x3FB9];
	_ =	sdelay $0x3  }
0x36: {  	p1 =	seq.s32 s10, $0x1;
	s10 =	sld [smem:$0x3FBA];
	_ =	sdelay $0x3  }
0x37: {  	[smem:$0x3FBA] =	sst s10  }
0x38: {  	s10 =	sld [smem:$0x3FBB]  }
0x39: {  	_ = 	snop;
	(pc) =	sbr.ind lr, $3  }
0x3a: {  	_ = 	snop  }
0x3b: {  	_ = 	snop  }
0x3c: {  	p2 =	seq.s32 s10, $0x1;
	s10 =	sld [smem:$0x3FBA]  }
0x3d: {  	_ =	shalt  }
0x3e: {  	_ =	shalt  }
0x3f: {  	_ =	shalt  }
0x40: {  	_ =	shalt  }
0x41: {  	_ =	shalt  }
0x42: {  	_ =	shalt  }
0x43: {  	_ =	shalt  }
0x44: {  	_ =	shalt  }
0x45: {  	_ =	shalt  }
0x46: {  	_ =	shalt  }
0x47: {  	_ =	shalt  }
0x48: {  	_ =	shalt  }
0x49: {  	_ =	shalt  }
0x4a: {  	_ =	shalt  }
0x4b: {  	_ =	shalt  }
0x4c: {  	_ =	shalt  }
0x4d: {  	_ =	shalt  }
0x4e: {  	_ =	shalt  }
0x4f: {  	_ =	shalt  }
0x50: {  	_ =	shalt  }
0x51: {  	_ =	shalt  }
0x52: {  	_ =	shalt  }
0x53: {  	_ =	shalt  }
0x54: {  	_ =	shalt  }
0x55: {  	_ =	shalt  }
0x56: {  	_ =	shalt  }
0x57: {  	_ =	shalt  }
0x58: {  	_ =	shalt  }
0x59: {  	_ =	shalt  }
0x5a: {  	_ =	shalt  }
0x5b: {  	_ =	shalt  }
0x5c: {  	_ =	shalt  }
0x5d: {  	_ =	shalt  }
0x5e: {  	_ =	shalt  }
0x5f: {  	_ =	shalt  }
0x60: {  	_ =	shalt  }
0x61: {  	_ =	shalt  }
0x62: {  	_ =	shalt  }
0x63: {  	_ =	shalt  }
0x64: {  	_ =	shalt  }
0x65: {  	_ =	shalt  }
0x66: {  	_ =	shalt  }
0x67: {  	_ =	shalt  }
0x68: {  	_ =	shalt  }
0x69: {  	_ =	shalt  }
0x6a: {  	_ =	shalt  }
0x6b: {  	_ =	shalt  }
0x6c: {  	_ =	shalt  }
0x6d: {  	_ =	shalt  }
0x6e: {  	_ =	shalt  }
0x6f: {  	_ =	shalt  }
0x70: {  	_ =	shalt  }
0x71: {  	_ =	shalt  }
0x72: {  	_ =	shalt  }
0x73: {  	_ =	shalt  }
0x74: {  	_ =	shalt  }
0x75: {  	_ =	shalt  }
0x76: {  	_ =	shalt  }
0x77: {  	_ =	shalt  }
0x78: {  	_ =	shalt  }
0x79: {  	_ =	shalt  }
0x7a: {  	_ =	shalt  }
0x7b: {  	_ =	shalt  }
0x7c: {  	_ =	shalt  }
0x7d: {  	_ =	shalt  }
0x7e: {  	_ =	shalt  }
0x7f: {  	_ =	shalt  }
0x80: {  	_ =	shalt  }
0x81: {  	_ =	shalt  }
0x82: {  	_ =	shalt  }
0x83: {  	_ =	shalt  }
0x84: {  	_ =	shalt  }
0x85: {  	_ =	shalt  }
0x86: {  	_ =	shalt  }
0x87: {  	_ =	shalt  }
.Lfunc_end0:
.L_simem_size_0:
called_computation_lowered:
.L_overlay_start_0:
0x88: {  	s2 =	sld [smem:$0x3FD9]  }
0x89: {  	s3 =	sld [smem:$0x3FFE];
	_ =	sdelay $0x1  }
0x8a: {  	s1 =	srdreg.scid  }
0x8b: {  	s0 =	sand.u32 $0x1, s1  }
0x8c: {  	s18 =	sshll.u32 s0, $0xA;
	s2 =	sadd.s32 s3, s2  }
0x8d: {  	s2 =	sadd.s32 s2, s18  }
0x8e: {  	[smem:$0x3FC6] =	sst s2  }
0x8f: {  	_ = 	snop  }
0x90: {  	s2 =	sld [smem:$0x3FC9]  }
0x91: {  	s19 =	sld [smem:$0x3FC8]  }
0x92: {  	s4 =	sld [smem:$0x3FD0];
	(tm) =	ssettm $0x1  }
0x93: {  	s5 =	sld [smem:$0x3FFB];
	_ =	sdelay $0x3  }
0x94: {  	_ =	strace s5  }
0x95: {  	s5 =	sld [smem:$0x3FFC];
	_ =	sdelay $0x3  }
0x96: {  	_ =	strace s5  }
0x97: {  	s5 =	sld [smem:$0x3FFD];
	_ =	sdelay $0x3  }
0x98: {  	_ =	strace s5  }
0x99: {  	_ =	strace $0x8FFFFFFF  }
0x9a: {  	s20 =	sld [smem:$0x3FDB];
	_ =	sdelay $0x1  }
0x9b: {  	s6 =	simm.s32 $_scs_section_size  }
0x9c: {  	s7 =	simm.s32 $_size__tile_overlayer_lowered;
	s8 =	simm.s32 $_tile_overlayer_lowered  }
0x9d: {  	s23 =	simm.s32 $0x1BFF;
	s22 =	sshll.u32 s8, $0x1;
	s5 =	sadd.s32 s6, s20  }
0x9e: {  	s9 =	simm.s32 $0x0;
	s21 =	sshll.u32 s7, $0x1;
	s7 =	sadd.s32 s22, s5  }
0x9f: {  	[timem:s9], [sflag:s23] =	dma.local [hbm:s7], s21  }
0xa0: {  	_ =	swait.ge [sflag:s23], s21  }
0xa1: {  	s6 =	ssub.s32 $0x0, s21;
	[sflag:s23] =	ssyncset.done $0x0  }
0xa2: {  	[sflag:s23] =	ssyncadd.s32 s6;
	_ =	sdelay $0x1  }
0xa3: {  	s24 =	simm.s32 $0x1B8B  }
0xa4: {  	_ =	swait.ge [sflag:s24], $0x1  }
0xa5: {  	[sflag:s24] =	ssyncset.done $0x0  }
0xa6: {  	s25 =	simm.s32 $0x1B8E;
	[sflag:s24] =	ssyncadd.s32 $0xFFFFFFFF  }
0xa7: {  	s26 =	simm.s32 $execute0_lowered;
	[smem:$0x3FD2] =	sst s25  }
0xa8: {  	s6 =	sshll.u32 s26, $0x1;
	_ =	strace $0x80000046;
	[dreg:$0x1] =	wrdreg $0xFFFFFFFF  }
0xa9: {  	s28 =	simm.s32 $_size_execute0_lowered;
	s5 =	sadd.s32 s5, s6;
	[dreg:$0x0] =	wrdreg $0x0  }
0xaa: {  	s6 =	sshll.u32 s28, $0x1;
	[dreg:$0x2] =	wrdreg s5  }
0xab: {  	[dreg:$0x3] =	wrdreg s6  }
0xac: {  	[dreg:$0x4] =	wrdreg $0xC0  }
0xad: {  	_ =	task [dreg:s9], $0x5FFFF  }
0xae: {  	[dreg:$0x1] =	wrdreg $0xFFFFFFFF  }
0xaf: {  	[dreg:$0x0] =	wrdreg $0x60  }
0xb0: {  	[dreg:$0x2] =	wrdreg s19  }
0xb1: {  	[dreg:$0x3] =	wrdreg s2  }
0xb2: {  	[dreg:$0x4] =	wrdreg s4  }
0xb3: {  	[dreg:$0x5] =	wrdreg $0x102000  }
0xb4: {  	[dreg:$0x6] =	wrdreg $0x9  }
0xb5: {  	_ =	task.clear_ibuf [dreg:s9], $0x7FFFF;
	_ =	strace $0x90000046  }
0xb6: {  	s29 =	simm.s32 $0x9;
	_ =	strace $0x80000048  }
0xb7: {  	_ =	swait.ge [sflag:s29], $0x1  }
0xb8: {  	[sflag:s29] =	ssyncadd.s32 $0xFFFFFFFF  }
0xb9: {  	_ =	strace $0x90000048  }
0xba: {  	_ =	sfence  }
0xbb: {  	s30 =	sld [smem:$0x0];
	_ =	sdelay $0x2  }
0xbc: {  	s31 =	sshll.u32 s1, $0xD;
	s1 =	sshrl.u32 s1, $0x2  }
0xbd: {  	s3 =	sand.u32 $0x4000, s31;
	s1 =	sadd.s32 s1, s30  }
0xbe: {  	s0 =	sor.u32 s3, s0;
	s1 =	sshll.u32 s1, $0x11  }
0xbf: {  	s0 =	sor.u32 s1, s0  }
0xc0: {  	s0 =	sadd.s32 $0x8F2B, s0  }
0xc1: {  	[sflag:s0] =	ssyncadd.remote.s32 $0x1  }
0xc2: {  	_ =	sfence.sel $0xFFFF  }
0xc3: {  	[dreg:$0x0] =	wrdreg $0xFFFFFFFF;
	(pc) =	sbr.abs _section_cstart, $3  }
0xc4: {  	[dreg:$0x1] =	wrdreg $0xFFFFFFFF  }
0xc5: {  	_ =	task.clear_ibuf [dreg:s9], $0x2FFFF;
	_ =	strace $0x9FFFFFFF  }
0xc6: {  	(tm) =	ssettm $0x7FFFFFFF  }
0xc7: {  	_ =	shalt  }
tec
execute0_lowered:
.L_overlay_start_1:
0x0: {  	(tag) =	ssettag $0x1  }
0x1: {  	s0 =	rddreg [dreg:$0x0]  }
0x2: {  	s1 =	rddreg [dreg:$0x1]  }
0x3: {  	s4 =	rddreg [dreg:$0x2]  }
0x4: {  	s2 =	rddreg [dreg:$0x3]  }
0x5: {  	s5 =	srdreg.scid;
	s3 =	simm.s32 $0x0;
	s10 =	stileid.u32  }
0x6: {  	s15 =	simm.s32 $0x80;
	[smem:$0x7FF] =	sst s3;
	s24 =	sadd.s32 $0x3800, s1  }
0x7: {  	s16 =	simm.s32 $0xC0;
	_ =	strace $0x80000047;
	[dreg:$0x5] =	wrdreg s24  }
0x8: {  	s17 =	simm.s32 $0x100;
	s18 =	simm.s32 $0x140;
	[dreg:$0x11] =	wrdreg s15  }
0x9: {  	s19 =	simm.s32 $0x180;
	s20 =	simm.s32 $0x1C0;
	[dreg:$0x12] =	wrdreg s16  }
0xa: {  	s6 =	sand.u32 $0x1, s5;
	s23 =	sshll.u32 s10, $0xA;
	[dreg:$0x13] =	wrdreg s17  }
0xb: {  	s8 =	sshll.u32 s10, $0xB;
	p0 =	sgt.u32 s10, $0x6;
	[dreg:$0x14] =	wrdreg s18  }
0xc: {  	s7 =	sshll.u32 s6, $0x9;
	s1 =	sadd.s32 s1, s8;
	[dreg:$0x15] =	wrdreg s19  }
0xd: {  	p2 =	sne.s32 @p0 s10, $0x7;
	[dreg:$0x16] =	wrdreg s20;
	s5 =	sor.u32 s7, s23  }
0xe: {  	[dreg:$0x6] =	wrdreg s1;
	s7 =	sadd.s32 $0x1C000, s2;
	p1 =	por p2, !p0  }
0xf: {  	p2 =	por !p2, !p0;
	s9 =	sshll.u32 s5, $0x4;
	s1 =	sshrl.u32 @!p1 s7, $0x3  }
0x10: {  	s7 =	sshll.u32 @!p0 s10, $0x6;
	s5 =	sshrl.u32 s5, $0x3;
	s4 =	sadd.s32 s4, s9  }
0x11: {  	[dreg:$0xe] =	wrdreg s1;
	s1 =	sor.u32 @!p0 $0x1C0A, s7;
	s5 =	sadd.s32 s0, s5  }
0x12: {  	s0 =	simm.s32 @!p2 $0x0;
	s25 =	sadd.s32 $0x400, s4;
	[dreg:$0xf] =	wrdreg s1  }
0x13: {  	[tilespmem:s0], [sflag:$0xB] =	stream.linear.gather @!p2 [hbm4b:s5+s0], $0x200, $0x38;
	[tilespmem:$0x12140] =	vst v63  }
0x14: {  	s26 =	sadd.s32 $0x800, s4;
	[dreg:$0x7] =	wrdreg s25  }
0x15: {  	s8 =	sadd.s32 $0xC00, s4;
	[dreg:$0x8] =	wrdreg s26  }
0x16: {  	s11 =	sadd.s32 $0x1000, s4;
	[dreg:$0x9] =	wrdreg s8  }
0x17: {  	s12 =	sadd.s32 $0x1400, s4;
	[dreg:$0xa] =	wrdreg s11  }
0x18: {  	s9 =	sshll.u32 s10, $0xE;
	s13 =	sadd.s32 $0x1800, s4;
	[dreg:$0xb] =	wrdreg s12  }
0x19: {  	s14 =	sadd.s32 $0x1C00, s4;
	[dreg:$0xc] =	wrdreg s13;
	s8 =	sadd.s32 s9, s2  }
0x1a: {  	[dreg:$0xd] =	wrdreg s14;
	s1 =	sshrl.u32 @!p0 s8, $0x3  }
0x1b: {  	s7 =	simm.s32 @!p2 $0xB;
	[dreg:$0x10] =	wrdreg s1  }
0x1c: {  	s10 =	simm.s32 @!p1 $0xB;
	_ =	swait.ge @!p2 [sflag:s7], $0x200  }
0x1d: {  	s9 =	simm.s32 @!p1 $0x0;
	s0 =	rddreg [dreg:$0x5];
	[sflag:s7] =	ssyncset.done @!p2 $0x0  }
0x1e: {  	s8 =	simm.s32 @!p1 $0x1DCA;
	s1 =	rddreg [dreg:$0xe];
	[sflag:s7] =	ssyncadd.s32 @!p2 $0xFFFFFE00  }
0x1f: {  	[spmem:s1], [sflag:s8] =	dma.local @!p1 [hbm:s0], $0x680  }
0x20: {  	[tilespmem:s9], [sflag:$0xB] =	stream.linear.gather @!p1 [hbm4b:s5+s9], $0x200, $0x38;
	[tilespmem:$0x12140] =	vst v63  }
0x21: {  	_ =	swait.ge @!p1 [sflag:s10], $0x200  }
0x22: {  	[sflag:s10] =	ssyncset.done @!p1 $0x0  }
0x23: {  	s11 =	simm.s32 @!p1 $0xA;
	[sflag:s10] =	ssyncadd.s32 @!p1 $0xFFFFFE00  }
0x24: {  	_ =	swait.ge @!p1 [sflag:s11], $0x680  }
0x25: {  	s0 =	rddreg [dreg:$0x10]  }
0x26: {  	s13 =	simm.s32 @!p0 $0xB;
	s1 =	rddreg [dreg:$0x6];
	[sflag:s11] =	ssyncset.done @!p1 $0x0  }
0x27: {  	s8 =	simm.s32 @!p0 $0x0;
	s14 =	rddreg [dreg:$0xf];
	[sflag:s11] =	ssyncadd.s32 @!p1 $0xFFFFF980  }
0x28: {  	[spmem:s0], [sflag:s14] =	dma.local @!p0 [hbm:s1], $0x800  }
0x29: {  	[tilespmem:s8], [sflag:$0xB] =	stream.linear.gather @!p0 [hbm4b:s5+s8], $0x200, $0x38;
	[tilespmem:$0x12140] =	vst v63  }
0x2a: {  	_ =	swait.ge @!p0 [sflag:s13], $0x200  }
0x2b: {  	[sflag:s13] =	ssyncset.done @!p0 $0x0  }
0x2c: {  	s14 =	simm.s32 @!p0 $0xA;
	[sflag:s13] =	ssyncadd.s32 @!p0 $0xFFFFFE00  }
0x2d: {  	_ =	swait.ge @!p0 [sflag:s14], $0x800  }
0x2e: {  	[sflag:s14] =	ssyncset.done @!p0 $0x0  }
0x2f: {  	[sflag:s14] =	ssyncadd.s32 @!p0 $0xFFFFF800  }
0x30: {  	s15 =	simm.s32 $0x40;
	s16 =	simm.s32 $0x200;
	[bflag:$0x0] =	sbarrier.arrive $0xFFFF  }
0x31: {  	[tilespmem:s16], [sflag:$0x1] =	stream.indirect.gather [spmem:s2], $0x80, s3, s15, $0xb8;
	[tilespmem:$0x12140] =	vst v63  }
0x32: {  	s17 =	simm.s32 $0x2200  }
0x33: {  	[tilespmem:s17], [sflag:$0x2] =	stream.indirect.gather [spmem:s2], $0x80, s15, s15, $0xb8;
	[tilespmem:$0x12140] =	vst v63  }
0x34: {  	s18 =	simm.s32 $0x4200;
	s21 =	rddreg [dreg:$0x11]  }
0x35: {  	[tilespmem:s18], [sflag:$0x3] =	stream.indirect.gather [spmem:s2], $0x80, s21, s15, $0xb8;
	[tilespmem:$0x12140] =	vst v63  }
0x36: {  	s19 =	simm.s32 $0x6200;
	s22 =	rddreg [dreg:$0x12]  }
0x37: {  	[tilespmem:s19], [sflag:$0x4] =	stream.indirect.gather [spmem:s2], $0x80, s22, s15, $0xb8;
	[tilespmem:$0x12140] =	vst v63  }
0x38: {  	s20 =	simm.s32 $0x8200;
	s23 =	rddreg [dreg:$0x13]  }
0x39: {  	[tilespmem:s20], [sflag:$0x5] =	stream.indirect.gather [spmem:s2], $0x80, s23, s15, $0xb8;
	[tilespmem:$0x12140] =	vst v63  }
0x3a: {  	s24 =	rddreg [dreg:$0x14];
	s21 =	simm.s32 $0xA200  }
0x3b: {  	[tilespmem:s21], [sflag:$0x6] =	stream.indirect.gather [spmem:s2], $0x80, s24, s15, $0xb8;
	[tilespmem:$0x12140] =	vst v63  }
0x3c: {  	s25 =	rddreg [dreg:$0x15];
	s22 =	simm.s32 $0xC200  }
0x3d: {  	[tilespmem:s22], [sflag:$0x7] =	stream.indirect.gather [spmem:s2], $0x80, s25, s15, $0xb8;
	[tilespmem:$0x12140] =	vst v63  }
0x3e: {  	s26 =	rddreg [dreg:$0x16];
	s23 =	simm.s32 $0xE200;
	s24 =	simm.s32 $0x1  }
0x3f: {  	[tilespmem:s23], [sflag:$0x8] =	stream.indirect.gather [spmem:s2], $0x80, s26, s15, $0xb8;
	[tilespmem:$0x12140] =	vst v63  }
0x40: {  	_ =	swait.ge [sflag:s24], $0x2000  }
0x41: {  	[sflag:s24] =	ssyncset.done $0x0  }
0x42: {  	s25 =	simm.s32 $0x2;
	[sflag:s24] =	ssyncadd.s32 $0xFFFFE000  }
0x43: {  	[hbm4b:s4+s3] =	stream.linear.scatter [tilespmem:s16], [sflag:$0x9], $0x2000, $0x38;
	[tilespmem:$0x12140] =	vst v63  }
0x44: {  	_ =	swait.ge [sflag:s25], $0x2000  }
0x45: {  	[sflag:s25] =	ssyncset.done $0x0  }
0x46: {  	s26 =	simm.s32 $0x3;
	s1 =	rddreg [dreg:$0x7];
	[sflag:s25] =	ssyncadd.s32 $0xFFFFE000  }
0x47: {  	[hbm4b:s1+s3] =	stream.linear.scatter [tilespmem:s17], [sflag:$0x9], $0x2000, $0x38;
	[tilespmem:$0x12140] =	vst v63  }
0x48: {  	_ =	swait.ge [sflag:s26], $0x2000  }
0x49: {  	[sflag:s26] =	ssyncset.done $0x0  }
0x4a: {  	s28 =	simm.s32 $0x4;
	s8 =	rddreg [dreg:$0x8];
	[sflag:s26] =	ssyncadd.s32 $0xFFFFE000  }
0x4b: {  	[hbm4b:s8+s3] =	stream.linear.scatter [tilespmem:s18], [sflag:$0x9], $0x2000, $0x38;
	[tilespmem:$0x12140] =	vst v63  }
0x4c: {  	_ =	swait.ge [sflag:s28], $0x2000  }
0x4d: {  	[sflag:s28] =	ssyncset.done $0x0  }
0x4e: {  	s29 =	simm.s32 $0x5;
	s9 =	rddreg [dreg:$0x9];
	[sflag:s28] =	ssyncadd.s32 $0xFFFFE000  }
0x4f: {  	[hbm4b:s9+s3] =	stream.linear.scatter [tilespmem:s19], [sflag:$0x9], $0x2000, $0x38;
	[tilespmem:$0x12140] =	vst v63  }
0x50: {  	_ =	swait.ge [sflag:s29], $0x2000  }
0x51: {  	[sflag:s29] =	ssyncset.done $0x0  }
0x52: {  	s30 =	simm.s32 $0x6;
	s12 =	rddreg [dreg:$0xa];
	[sflag:s29] =	ssyncadd.s32 $0xFFFFE000  }
0x53: {  	[hbm4b:s12+s3] =	stream.linear.scatter [tilespmem:s20], [sflag:$0x9], $0x2000, $0x38;
	[tilespmem:$0x12140] =	vst v63  }
0x54: {  	_ =	swait.ge [sflag:s30], $0x2000  }
0x55: {  	[sflag:s30] =	ssyncset.done $0x0  }
0x56: {  	s31 =	simm.s32 $0x7;
	s1 =	rddreg [dreg:$0xb];
	[sflag:s30] =	ssyncadd.s32 $0xFFFFE000  }
0x57: {  	[hbm4b:s1+s3] =	stream.linear.scatter [tilespmem:s21], [sflag:$0x9], $0x2000, $0x38;
	[tilespmem:$0x12140] =	vst v63  }
0x58: {  	_ =	swait.ge [sflag:s31], $0x2000  }
0x59: {  	[sflag:s31] =	ssyncset.done $0x0  }
0x5a: {  	s0 =	simm.s32 $0x8;
	s8 =	rddreg [dreg:$0xc];
	[sflag:s31] =	ssyncadd.s32 $0xFFFFE000  }
0x5b: {  	[hbm4b:s8+s3] =	stream.linear.scatter [tilespmem:s22], [sflag:$0x9], $0x2000, $0x38;
	[tilespmem:$0x12140] =	vst v63  }
0x5c: {  	_ =	swait.ge [sflag:s0], $0x2000  }
0x5d: {  	[sflag:s0] =	ssyncset.done $0x0  }
0x5e: {  	s1 =	simm.s32 $0x9;
	s9 =	rddreg [dreg:$0xd];
	[sflag:s0] =	ssyncadd.s32 $0xFFFFE000  }
0x5f: {  	[hbm4b:s9+s3] =	stream.linear.scatter [tilespmem:s23], [sflag:$0x9], $0x2000, $0x38;
	[tilespmem:$0x12140] =	vst v63  }
0x60: {  	_ =	swait.ge [sflag:s1], $0x2000  }
0x61: {  	[sflag:s1] =	ssyncset.done $0x0  }
0x62: {  	[sflag:s1] =	ssyncadd.s32 $0xFFFFE000  }
0x63: {  	_ =	swait.ge [sflag:s1], $0x2000  }
0x64: {  	[sflag:s1] =	ssyncset.done $0x0  }
0x65: {  	[sflag:s1] =	ssyncadd.s32 $0xFFFFE000  }
0x66: {  	_ =	swait.ge [sflag:s1], $0x2000  }
0x67: {  	[sflag:s1] =	ssyncset.done $0x0  }
0x68: {  	s12 =	ssub.s32 $0x2, s6;
	[sflag:s1] =	ssyncadd.s32 $0xFFFFE000  }
0x69: {  	s6 =	sshrl.u32 s12, $0x1;
	_ =	swait.ge [sflag:s1], $0x2000  }
0x6a: {  	s6 =	ssub.s32 s12, s6;
	[sflag:s1] =	ssyncset.done $0x0  }
0x6b: {  	s6 =	smax.u32 s6, $0x1;
	[sflag:s1] =	ssyncadd.s32 $0xFFFFE000  }
0x6c: {  	s6 =	sadd.s32 $0xFFFFFFFF, s6;
	_ =	swait.ge [sflag:s1], $0x2000  }
0x6d: {  	p3 =	sne.s32 s6, $0x0;
	[sflag:s1] =	ssyncset.done $0x0  }
.Ltmp0:
0x6e: {  	[sflag:s1] =	ssyncadd.s32 $0xFFFFE000;
	(pc) =	sbr.rel @!p3 .LBB2_2-.Ltmp0, $4  }
0x6f: {  	_ =	swait.ge [sflag:s1], $0x2000  }
0x70: {  	[sflag:s1] =	ssyncset.done $0x0  }
0x71: {  	[sflag:s1] =	ssyncadd.s32 $0xFFFFE000  }
0x72: {  	_ =	swait.ge [sflag:s1], $0x2000  }
.LBB2_1:
0x73: {  	[sflag:s1] =	ssyncset.done $0x0  }
0x74: {  	[sflag:s1] =	ssyncadd.s32 $0xFFFFE000  }
0x75: {  	_ =	swait.ge [sflag:s1], $0x2000  }
0x76: {  	[sflag:s1] =	ssyncset.done $0x0  }
0x77: {  	s8 =	simm.s32 @!p2 $0x0;
	[sflag:s1] =	ssyncadd.s32 $0xFFFFE000  }
0x78: {  	[tilespmem:s8], [sflag:$0xB] =	stream.linear.gather @!p2 [hbm4b:s5+s8], $0x200, $0x38;
	[tilespmem:$0x12140] =	vst v63  }
0x79: {  	_ =	swait.ge @!p2 [sflag:s7], $0x200  }
0x7a: {  	[sflag:s7] =	ssyncset.done @!p2 $0x0;
	s8 =	rddreg [dreg:$0x5]  }
0x7b: {  	s12 =	simm.s32 @!p1 $0x1DCA;
	s9 =	rddreg [dreg:$0xe];
	[sflag:s7] =	ssyncadd.s32 @!p2 $0xFFFFFE00  }
0x7c: {  	[spmem:s9], [sflag:s12] =	dma.local @!p1 [hbm:s8], $0x680  }
0x7d: {  	s8 =	simm.s32 @!p1 $0x0  }
0x7e: {  	[tilespmem:s8], [sflag:$0xB] =	stream.linear.gather @!p1 [hbm4b:s5+s8], $0x200, $0x38;
	[tilespmem:$0x12140] =	vst v63  }
0x7f: {  	_ =	swait.ge @!p1 [sflag:s10], $0x200  }
0x80: {  	[sflag:s10] =	ssyncset.done @!p1 $0x0  }
0x81: {  	[sflag:s10] =	ssyncadd.s32 @!p1 $0xFFFFFE00  }
0x82: {  	_ =	swait.ge @!p1 [sflag:s11], $0x680  }
0x83: {  	s8 =	rddreg [dreg:$0x10]  }
0x84: {  	[sflag:s11] =	ssyncset.done @!p1 $0x0;
	s9 =	rddreg [dreg:$0x6]  }
0x85: {  	s12 =	rddreg [dreg:$0xf];
	[sflag:s11] =	ssyncadd.s32 @!p1 $0xFFFFF980  }
0x86: {  	[spmem:s8], [sflag:s12] =	dma.local @!p0 [hbm:s9], $0x800  }
0x87: {  	s8 =	simm.s32 @!p0 $0x0  }
0x88: {  	[tilespmem:s8], [sflag:$0xB] =	stream.linear.gather @!p0 [hbm4b:s5+s8], $0x200, $0x38;
	[tilespmem:$0x12140] =	vst v63  }
0x89: {  	_ =	swait.ge @!p0 [sflag:s13], $0x200  }
0x8a: {  	[sflag:s13] =	ssyncset.done @!p0 $0x0  }
0x8b: {  	[sflag:s13] =	ssyncadd.s32 @!p0 $0xFFFFFE00  }
0x8c: {  	_ =	swait.ge @!p0 [sflag:s14], $0x800  }
0x8d: {  	[sflag:s14] =	ssyncset.done @!p0 $0x0  }
0x8e: {  	[sflag:s14] =	ssyncadd.s32 @!p0 $0xFFFFF800  }
0x8f: {  	[bflag:$0x0] =	sbarrier.arrive $0xFFFF  }
0x90: {  	[tilespmem:s16], [sflag:$0x1] =	stream.indirect.gather [spmem:s2], $0x80, s3, s15, $0xb8;
	[tilespmem:$0x12140] =	vst v63  }
0x91: {  	_ = 	snop  }
0x92: {  	[tilespmem:s17], [sflag:$0x2] =	stream.indirect.gather [spmem:s2], $0x80, s15, s15, $0xb8;
	[tilespmem:$0x12140] =	vst v63  }
0x93: {  	s9 =	rddreg [dreg:$0x11]  }
0x94: {  	[tilespmem:s18], [sflag:$0x3] =	stream.indirect.gather [spmem:s2], $0x80, s9, s15, $0xb8;
	[tilespmem:$0x12140] =	vst v63  }
0x95: {  	s12 =	rddreg [dreg:$0x12]  }
0x96: {  	[tilespmem:s19], [sflag:$0x4] =	stream.indirect.gather [spmem:s2], $0x80, s12, s15, $0xb8;
	[tilespmem:$0x12140] =	vst v63  }
0x97: {  	s8 =	rddreg [dreg:$0x13]  }
0x98: {  	[tilespmem:s20], [sflag:$0x5] =	stream.indirect.gather [spmem:s2], $0x80, s8, s15, $0xb8;
	[tilespmem:$0x12140] =	vst v63  }
0x99: {  	s12 =	rddreg [dreg:$0x14]  }
0x9a: {  	[tilespmem:s21], [sflag:$0x6] =	stream.indirect.gather [spmem:s2], $0x80, s12, s15, $0xb8;
	[tilespmem:$0x12140] =	vst v63  }
0x9b: {  	s8 =	rddreg [dreg:$0x15]  }
0x9c: {  	[tilespmem:s22], [sflag:$0x7] =	stream.indirect.gather [spmem:s2], $0x80, s8, s15, $0xb8;
	[tilespmem:$0x12140] =	vst v63  }
0x9d: {  	s12 =	rddreg [dreg:$0x16]  }
0x9e: {  	[tilespmem:s23], [sflag:$0x8] =	stream.indirect.gather [spmem:s2], $0x80, s12, s15, $0xb8;
	[tilespmem:$0x12140] =	vst v63  }
0x9f: {  	_ =	swait.ge [sflag:s24], $0x2000  }
0xa0: {  	[sflag:s24] =	ssyncset.done $0x0  }
0xa1: {  	[sflag:s24] =	ssyncadd.s32 $0xFFFFE000  }
0xa2: {  	[hbm4b:s4+s3] =	stream.linear.scatter [tilespmem:s16], [sflag:$0x9], $0x2000, $0x38;
	[tilespmem:$0x12140] =	vst v63  }
0xa3: {  	_ =	swait.ge [sflag:s25], $0x2000  }
0xa4: {  	[sflag:s25] =	ssyncset.done $0x0  }
0xa5: {  	s12 =	rddreg [dreg:$0x7];
	[sflag:s25] =	ssyncadd.s32 $0xFFFFE000  }
0xa6: {  	[hbm4b:s12+s3] =	stream.linear.scatter [tilespmem:s17], [sflag:$0x9], $0x2000, $0x38;
	[tilespmem:$0x12140] =	vst v63  }
0xa7: {  	_ =	swait.ge [sflag:s26], $0x2000  }
0xa8: {  	[sflag:s26] =	ssyncset.done $0x0  }
0xa9: {  	s9 =	rddreg [dreg:$0x8];
	[sflag:s26] =	ssyncadd.s32 $0xFFFFE000  }
0xaa: {  	[hbm4b:s9+s3] =	stream.linear.scatter [tilespmem:s18], [sflag:$0x9], $0x2000, $0x38;
	[tilespmem:$0x12140] =	vst v63  }
0xab: {  	_ =	swait.ge [sflag:s28], $0x2000  }
0xac: {  	[sflag:s28] =	ssyncset.done $0x0  }
0xad: {  	s12 =	rddreg [dreg:$0x9];
	[sflag:s28] =	ssyncadd.s32 $0xFFFFE000  }
0xae: {  	[hbm4b:s12+s3] =	stream.linear.scatter [tilespmem:s19], [sflag:$0x9], $0x2000, $0x38;
	[tilespmem:$0x12140] =	vst v63  }
0xaf: {  	_ =	swait.ge [sflag:s29], $0x2000  }
0xb0: {  	[sflag:s29] =	ssyncset.done $0x0  }
0xb1: {  	s9 =	rddreg [dreg:$0xa];
	[sflag:s29] =	ssyncadd.s32 $0xFFFFE000  }
0xb2: {  	[hbm4b:s9+s3] =	stream.linear.scatter [tilespmem:s20], [sflag:$0x9], $0x2000, $0x38;
	[tilespmem:$0x12140] =	vst v63  }
0xb3: {  	_ =	swait.ge [sflag:s30], $0x2000  }
0xb4: {  	[sflag:s30] =	ssyncset.done $0x0  }
0xb5: {  	s12 =	rddreg [dreg:$0xb];
	[sflag:s30] =	ssyncadd.s32 $0xFFFFE000  }
0xb6: {  	[hbm4b:s12+s3] =	stream.linear.scatter [tilespmem:s21], [sflag:$0x9], $0x2000, $0x38;
	[tilespmem:$0x12140] =	vst v63  }
0xb7: {  	_ =	swait.ge [sflag:s31], $0x2000  }
0xb8: {  	[sflag:s31] =	ssyncset.done $0x0  }
0xb9: {  	s9 =	rddreg [dreg:$0xc];
	[sflag:s31] =	ssyncadd.s32 $0xFFFFE000  }
0xba: {  	[hbm4b:s9+s3] =	stream.linear.scatter [tilespmem:s22], [sflag:$0x9], $0x2000, $0x38;
	[tilespmem:$0x12140] =	vst v63  }
0xbb: {  	_ =	swait.ge [sflag:s0], $0x2000  }
0xbc: {  	[sflag:s0] =	ssyncset.done $0x0  }
0xbd: {  	s12 =	rddreg [dreg:$0xd];
	[sflag:s0] =	ssyncadd.s32 $0xFFFFE000  }
0xbe: {  	[hbm4b:s12+s3] =	stream.linear.scatter [tilespmem:s23], [sflag:$0x9], $0x2000, $0x38;
	[tilespmem:$0x12140] =	vst v63  }
0xbf: {  	_ =	swait.ge [sflag:s1], $0x2000  }
0xc0: {  	[sflag:s1] =	ssyncset.done $0x0  }
0xc1: {  	[sflag:s1] =	ssyncadd.s32 $0xFFFFE000  }
0xc2: {  	_ =	swait.ge [sflag:s1], $0x2000  }
0xc3: {  	[sflag:s1] =	ssyncset.done $0x0  }
0xc4: {  	[sflag:s1] =	ssyncadd.s32 $0xFFFFE000  }
0xc5: {  	_ =	swait.ge [sflag:s1], $0x2000  }
0xc6: {  	[sflag:s1] =	ssyncset.done $0x0  }
0xc7: {  	[sflag:s1] =	ssyncadd.s32 $0xFFFFE000  }
0xc8: {  	_ =	swait.ge [sflag:s1], $0x2000  }
0xc9: {  	[sflag:s1] =	ssyncset.done $0x0  }
0xca: {  	[sflag:s1] =	ssyncadd.s32 $0xFFFFE000  }
0xcb: {  	s6 =	sadd.s32 $0xFFFFFFFF, s6;
	_ =	swait.ge [sflag:s1], $0x2000  }
0xcc: {  	p3 =	sne.s32 s6, $0x0;
	[sflag:s1] =	ssyncset.done $0x0  }
.Ltmp1:
0xcd: {  	[sflag:s1] =	ssyncadd.s32 $0xFFFFE000;
	(pc) =	sbr.rel @p3 .LBB2_1-.Ltmp1, $4  }
0xce: {  	_ =	swait.ge [sflag:s1], $0x2000  }
0xcf: {  	[sflag:s1] =	ssyncset.done $0x0  }
0xd0: {  	[sflag:s1] =	ssyncadd.s32 $0xFFFFE000  }
0xd1: {  	_ =	swait.ge [sflag:s1], $0x2000  }
.LBB2_2:
0xd2: {  	[sflag:s1] =	ssyncset.done $0x0  }
0xd3: {  	[sflag:s1] =	ssyncadd.s32 $0xFFFFE000  }
0xd4: {  	_ =	swait.ge [sflag:s1], $0x2000  }
0xd5: {  	[sflag:s1] =	ssyncset.done $0x0  }
0xd6: {  	[sflag:s1] =	ssyncadd.s32 $0xFFFFE000  }
0xd7: {  	_ =	sfence.sel $0x180000  }
0xd8: {  	[bflag:$0x0] =	sbarrier.arrive $0xFFFF  }
0xd9: {  	_ =	strace $0x90000047  }
0xda: {  	s0 =	stileid.u32;
	[bflag:$0x2] =	sbarrier.arrive $0xFFFF  }
0xdb: {  	p0 =	sne.s32 s0, $0x0;
	s0 =	rddreg [dreg:$0x4]  }
0xdc: {  	s0 =	sadd.s32 @!p0 $0x100000, s0  }
0xdd: {  	[sflag:s0] =	ssyncadd.tile.s32 @!p0 $0x1;
	_ =	shalt  }
.Lfunc_end2:
_tile_overlayer_lowered:
.L_overlay_start_2:
0xde: {  	(tag) =	ssettag $0x2  }
0xdf: {  	s0 =	rddreg [dreg:$0x0];
	s2 =	stileid.u32  }
0xe0: {  	s1 =	rddreg [dreg:$0x1];
	p0 =	sne.s32 s2, $0x0  }
0xe1: {  	s3 =	rddreg [dreg:$0x2];
	[bflag:$0x3] =	sbarrier.arrive $0xFFFF;
	s2 =	simm.s32 @!p0 $0x1C0B  }
0xe2: {  	[timem:s3], [sflag:s2] =	dma.local @!p0 [hbm:s0], s1  }
0xe3: {  	s0 =	simm.s32 @!p0 $0xB  }
0xe4: {  	_ =	swait.ge @!p0 [sflag:s0], s1  }
0xe5: {  	s1 =	ssub.s32 @!p0 $0x0, s1;
	[sflag:s0] =	ssyncset.done @!p0 $0x0  }
0xe6: {  	[sflag:s0] =	ssyncadd.s32 @!p0 s1  }
0xe7: {  	[bflag:$0x3] =	sbarrier.arrive $0xFFFF  }
0xe8: {  	_ =	shalt  }

</sc_bundles>
